<compile_context>
chip_gen: v7x
topology: tpu7x:2x2x1
jax: 0.10.2.dev20260603
libtpu: 0.0.44.dev20260713+nightly
codegen_flags: <defaults>
</compile_context>

<pallas_src>
import functools

import jax
import jax.numpy as jnp
from jax import lax
from jax.experimental import pallas as pl
from jax.experimental.pallas import tpu as pltpu
from jax.experimental.pallas import tpu_sc as plsc

HIDDEN = 1024
N_EXPERTS = 8
INTER = 512
SHARED_DIM = 512
TILE = 256
CHUNK = 256


def _dotT(a, b):
    return jax.lax.dot_general(a, b, (((1,), (1,)), ((), ())),
                               preferred_element_type=jnp.float32)


def _dot(a, b):
    return jax.lax.dot_general(a, b, (((1,), (0,)), ((), ())),
                               preferred_element_type=jnp.float32)


def _chunked_cumsum(a_bool, T):
    a_bf = a_bool.astype(jnp.bfloat16)
    nch = T // CHUNK
    tri = (jax.lax.broadcasted_iota(jnp.int32, (CHUNK, CHUNK), 0)
           >= jax.lax.broadcasted_iota(jnp.int32, (CHUNK, CHUNK), 1)
           ).astype(jnp.bfloat16)
    incs = []
    sums = []
    for c in range(nch):
        blk = a_bf[c * CHUNK:(c + 1) * CHUNK, :]
        inc = _dot(tri, blk)
        incs.append(inc)
        sums.append(inc[CHUNK - 1:CHUNK, :])
    S = jnp.concatenate(sums, axis=0)
    mlt = (jax.lax.broadcasted_iota(jnp.int32, (nch, nch), 0)
           < jax.lax.broadcasted_iota(jnp.int32, (nch, nch), 1)
           ).astype(jnp.float32)
    O = jax.lax.dot_general(mlt, S, (((0,), (0,)), ((), ())),
                            preferred_element_type=jnp.float32)
    C = jnp.concatenate(
        [incs[c] + O[c:c + 1, :] for c in range(nch)], axis=0)
    totals = O[nch - 1:nch, :] + S[nch - 1:nch, :]
    return C, totals


def _router_body(x_ref, gate_ref, pc_ref, wn1_ref, wn2_ref, te_ref, xbf_ref):
    T = x_ref.shape[0]
    NT = te_ref.shape[0]
    x = x_ref[...]
    xbf_ref[...] = x.astype(jnp.bfloat16)
    logits = _dotT(x, gate_ref[...])
    m = jnp.max(logits, axis=-1, keepdims=True)
    ex = jnp.exp(logits - m)
    p = ex / jnp.sum(ex, axis=-1, keepdims=True)
    idx = jax.lax.broadcasted_iota(jnp.int32, p.shape, 1)
    m1 = jnp.max(p, axis=-1, keepdims=True)
    i1 = jnp.min(jnp.where(p == m1, idx, N_EXPERTS), axis=-1, keepdims=True)
    oh1 = (idx == i1)
    pp2 = jnp.where(oh1, -jnp.inf, p)
    m2 = jnp.max(pp2, axis=-1, keepdims=True)
    i2 = jnp.min(jnp.where(pp2 == m2, idx, N_EXPERTS), axis=-1, keepdims=True)
    oh2 = (idx == i2)
    denom = m1 + m2
    wn1_ref[...] = m1 / denom
    wn2_ref[...] = m2 / denom

    C1, tot1 = _chunked_cumsum(oh1, T)
    C2, tot2 = _chunked_cumsum(oh2, T)
    counts = tot1 + tot2
    padded = jnp.floor((counts + (TILE - 1)) / TILE) * TILE
    mlt8 = (jax.lax.broadcasted_iota(jnp.int32, (N_EXPERTS, N_EXPERTS), 0)
            < jax.lax.broadcasted_iota(jnp.int32, (N_EXPERTS, N_EXPERTS), 1)
            ).astype(jnp.float32)
    pad_off = jax.lax.dot_general(padded, mlt8, (((1,), (0,)), ((), ())),
                                  preferred_element_type=jnp.float32)
    p1f = jnp.sum(jnp.where(oh1, pad_off + C1 - 1.0, 0.0),
                  axis=-1, keepdims=True)
    p2f = jnp.sum(jnp.where(oh2, pad_off + tot1 + C2 - 1.0, 0.0),
                  axis=-1, keepdims=True)
    pc_ref[...] = jnp.concatenate([p1f, p2f], axis=0).astype(jnp.int32)

    starts = (jax.lax.broadcasted_iota(jnp.int32, (NT, 1), 0) * TILE
              ).astype(jnp.float32)
    started = (pad_off <= starts)
    te_ref[...] = (jnp.sum(started.astype(jnp.float32), axis=-1,
                           keepdims=True) - 1.0).astype(jnp.int32)


def _shared_body(xbf_ref, wgu_ref, wd_ref, ysh_ref):
    x = xbf_ref[...]
    gu = _dotT(x, wgu_ref[...].astype(jnp.bfloat16))
    gate = gu[:, :SHARED_DIM]
    up = gu[:, SHARED_DIM:]
    s = gate * jax.nn.sigmoid(gate) * up
    ysh_ref[...] = _dotT(s.astype(jnp.bfloat16),
                         wd_ref[...].astype(jnp.bfloat16))


def _grouped_body(te_ref, xg_ref, w1_ref, w2_ref, ys_ref):
    xt = xg_ref[...]
    h = _dotT(xt, w1_ref[0].astype(jnp.bfloat16))
    h = h * jax.nn.sigmoid(h)
    ys_ref[...] = _dotT(h.astype(jnp.bfloat16),
                        w2_ref[0].astype(jnp.bfloat16)).astype(jnp.bfloat16)


def _combine_body(ysh_ref, yg1_ref, yg2_ref, wn1_ref, wn2_ref, out_ref):
    out_ref[...] = (ysh_ref[...]
                    + wn1_ref[...] * yg1_ref[...].astype(jnp.float32)
                    + wn2_ref[...] * yg2_ref[...].astype(jnp.float32))


def _make_push_dispatch(T, PAD, D, chunk):
    NW = 32
    n_assign = 2 * T
    per_w = n_assign // NW
    assert per_w % chunk == 0
    mesh = plsc.VectorSubcoreMesh(core_axis_name="c", subcore_axis_name="s")

    @functools.partial(
        pl.kernel, mesh=mesh,
        out_type=jax.ShapeDtypeStruct((PAD, D), jnp.int32),
        scratch_types=[
            pltpu.VMEM((chunk,), jnp.int32),
            pltpu.VMEM((chunk, D), jnp.int32),
            pltpu.SemaphoreType.DMA,
        ],
    )
    def push_dispatch(x_hbm, pc_hbm, xg_hbm, idx_v, rows_v, sem):
        wid = lax.axis_index("s") * 2 + lax.axis_index("c")
        for c in range(per_w // chunk):
            aoff = wid * per_w + c * chunk
            toff = jnp.where(aoff < T, aoff, aoff - T)
            pltpu.sync_copy(x_hbm.at[pl.ds(toff, chunk)], rows_v)
            pltpu.sync_copy(pc_hbm.at[pl.ds(aoff, chunk)], idx_v)
            pltpu.async_copy(rows_v, xg_hbm.at[idx_v], sem).wait()

    return push_dispatch


def _make_gather_rows(n_rows, D, dtype, chunk):
    NW = 32
    per_w = n_rows // NW
    assert per_w % chunk == 0 and per_w % 8 == 0
    mesh = plsc.VectorSubcoreMesh(core_axis_name="c", subcore_axis_name="s")

    @functools.partial(
        pl.kernel, mesh=mesh,
        out_type=jax.ShapeDtypeStruct((n_rows, D), dtype),
        scratch_types=[
            pltpu.VMEM((chunk,), jnp.int32),
            pltpu.VMEM((chunk, D), dtype),
            pltpu.SemaphoreType.DMA,
        ],
    )
    def gather_rows(table_hbm, idx_hbm, out_hbm, idx_v, rows_v, sem):
        wid = lax.axis_index("s") * 2 + lax.axis_index("c")
        base = wid * per_w
        for c in range(per_w // chunk):
            off = base + c * chunk
            pltpu.sync_copy(idx_hbm.at[pl.ds(off, chunk)], idx_v)
            pltpu.async_copy(table_hbm.at[idx_v], rows_v, sem).wait()
            pltpu.sync_copy(rows_v, out_hbm.at[pl.ds(off, chunk)])

    return gather_rows


def kernel(hidden_states, gate_w, w1, w2, shared_gate_up_w, shared_down_w):
    orig_shape = hidden_states.shape
    T = orig_shape[0] * orig_shape[1]
    x2d = hidden_states.reshape(T, HIDDEN)
    PAD = 2 * T + N_EXPERTS * TILE
    NT = PAD // TILE

    pc, wn1, wn2, te, xbf = pl.pallas_call(
        _router_body,
        grid=(1,),
        in_specs=[
            pl.BlockSpec((T, HIDDEN), lambda i: (0, 0)),
            pl.BlockSpec((N_EXPERTS, HIDDEN), lambda i: (0, 0)),
        ],
        out_specs=[
            pl.BlockSpec((2 * T, 1), lambda i: (0, 0)),
            pl.BlockSpec((T, 1), lambda i: (0, 0)),
            pl.BlockSpec((T, 1), lambda i: (0, 0)),
            pl.BlockSpec((NT, 1), lambda i: (0, 0)),
            pl.BlockSpec((T, HIDDEN), lambda i: (0, 0)),
        ],
        out_shape=[
            jax.ShapeDtypeStruct((2 * T, 1), jnp.int32),
            jax.ShapeDtypeStruct((T, 1), jnp.float32),
            jax.ShapeDtypeStruct((T, 1), jnp.float32),
            jax.ShapeDtypeStruct((NT, 1), jnp.int32),
            jax.ShapeDtypeStruct((T, HIDDEN), jnp.bfloat16),
        ],
    )(x2d, gate_w)

    pc_flat = pc.reshape(2 * T)

    def _to_i32(a):
        n, d = a.shape
        return jax.lax.bitcast_convert_type(
            a.reshape(n, d // 2, 2), jnp.int32)

    def _to_bf16(a):
        n, d = a.shape
        return jax.lax.bitcast_convert_type(a, jnp.bfloat16).reshape(n, 2 * d)

    xg = _to_bf16(
        _make_push_dispatch(T, PAD, HIDDEN // 2, 64)(_to_i32(xbf), pc_flat))

    ysh = pl.pallas_call(
        _shared_body,
        grid=(1,),
        in_specs=[
            pl.BlockSpec((T, HIDDEN), lambda i: (0, 0)),
            pl.BlockSpec((2 * SHARED_DIM, HIDDEN), lambda i: (0, 0)),
            pl.BlockSpec((HIDDEN, SHARED_DIM), lambda i: (0, 0)),
        ],
        out_specs=pl.BlockSpec((T, HIDDEN), lambda i: (0, 0)),
        out_shape=jax.ShapeDtypeStruct((T, HIDDEN), jnp.float32),
    )(xbf, shared_gate_up_w, shared_down_w)

    ys = pl.pallas_call(
        _grouped_body,
        grid_spec=pltpu.PrefetchScalarGridSpec(
            num_scalar_prefetch=1,
            grid=(NT,),
            in_specs=[
                pl.BlockSpec((TILE, HIDDEN), lambda i, te: (i, 0)),
                pl.BlockSpec((1, INTER, HIDDEN), lambda i, te: (te[i], 0, 0)),
                pl.BlockSpec((1, HIDDEN, INTER), lambda i, te: (te[i], 0, 0)),
            ],
            out_specs=pl.BlockSpec((TILE, HIDDEN), lambda i, te: (i, 0)),
        ),
        out_shape=jax.ShapeDtypeStruct((PAD, HIDDEN), jnp.bfloat16),
    )(te.reshape(NT), xg, w1, w2)

    yg = _to_bf16(
        _make_gather_rows(2 * T, HIDDEN // 2, jnp.int32, 64)(_to_i32(ys),
                                                             pc_flat))

    out = pl.pallas_call(
        _combine_body,
        grid=(1,),
        in_specs=[
            pl.BlockSpec((T, HIDDEN), lambda i: (0, 0)),
            pl.BlockSpec((T, HIDDEN), lambda i: (0, 0)),
            pl.BlockSpec((T, HIDDEN), lambda i: (1, 0)),
            pl.BlockSpec((T, 1), lambda i: (0, 0)),
            pl.BlockSpec((T, 1), lambda i: (0, 0)),
        ],
        out_specs=pl.BlockSpec((T, HIDDEN), lambda i: (0, 0)),
        out_shape=jax.ShapeDtypeStruct((T, HIDDEN), jnp.float32),
    )(ysh, yg, yg, wn1, wn2)

    return out.reshape(orig_shape)

# --- scband reference (transcript-rebuilt; emitter-appended) ---
"""Pipeline reference for scband-glm-mo-e-24756191494627 (READ-ONLY COPY).

The authoritative reference and input builder live on the scoring server;
editing this copy changes nothing except your own understanding.
"""

import jax, jax.numpy as jnp
import numpy as np

HIDDEN = 1024
N_EXPERTS = 8
INTER = 512
TOP_K = 2
N_SHARED = 1
SHARED_DIM = INTER * N_SHARED


def setup_inputs(seed: int = 0) -> dict:
    key = jax.random.key(seed)
    ks = jax.random.split(key, 6)
    hidden_states = jax.random.normal(ks[0], (1, 2048, HIDDEN), dtype=jnp.float32)
    gate_w = jax.random.normal(ks[1], (N_EXPERTS, HIDDEN), dtype=jnp.float32) * 0.02
    w1 = jax.random.normal(ks[2], (N_EXPERTS, INTER, HIDDEN), dtype=jnp.float32) * 0.02
    w2 = jax.random.normal(ks[3], (N_EXPERTS, HIDDEN, INTER), dtype=jnp.float32) * 0.02
    shared_gate_up_w = jax.random.normal(ks[4], (2 * SHARED_DIM, HIDDEN), dtype=jnp.float32) * 0.02
    shared_down_w = jax.random.normal(ks[5], (HIDDEN, SHARED_DIM), dtype=jnp.float32) * 0.02
    return {
        "hidden_states": hidden_states,
        "gate_w": gate_w,
        "w1": w1,
        "w2": w2,
        "shared_gate_up_w": shared_gate_up_w,
        "shared_down_w": shared_down_w,
    }


def _silu(x):
    return x * jax.nn.sigmoid(x)


def reference(hidden_states, gate_w, w1, w2, shared_gate_up_w, shared_down_w):
    orig_shape = hidden_states.shape
    x2d = hidden_states.reshape(-1, orig_shape[-1])  # [T, H]
    # router
    router_logits = x2d @ gate_w.T  # [T, E]
    probs = jax.nn.softmax(router_logits, axis=-1)
    topk_w, topk_ids = jax.lax.top_k(probs, TOP_K)  # [T, K]
    topk_w = topk_w / jnp.sum(topk_w, axis=-1, keepdims=True)  # renormalize
    # combine weights per expert: [T, E]
    one_hot = jax.nn.one_hot(topk_ids, N_EXPERTS, dtype=x2d.dtype)  # [T, K, E]
    combine = jnp.sum(topk_w[..., None] * one_hot, axis=1)  # [T, E]
    # expert MLPs (dense over experts, weighted-combined)
    h = jnp.einsum('th,eih->tei', x2d, w1)  # [T, E, I]
    h = _silu(h)
    y = jnp.einsum('tei,ehi->teh', h, w2)  # [T, E, H]
    routed_out = jnp.einsum('te,teh->th', combine, y)  # [T, H]
    # shared experts
    gate_up = x2d @ shared_gate_up_w.T  # [T, 2*SD]
    gate, up = jnp.split(gate_up, 2, axis=-1)
    shared_out = (_silu(gate) * up) @ shared_down_w.T  # [T, H]
    out = routed_out + shared_out
    return out.reshape(orig_shape)

if __name__ == "__main__":
    import jax
    _d = setup_inputs()
    print(jax.jit(kernel)(*tuple(_d.values())))

</pallas_src>

<mosaic_0001>
#map = affine_map<(d0, d1) -> (0, 0)>
#map1 = affine_map<(d0, d1) -> (0)>
module attributes {stable_mosaic.version = 14 : i64} {
  func.func @gather_rows(%arg0: i32, %arg1: i32, %arg2: memref<6144x512xi32, #tpu.memory_space<hbm>>, %arg3: memref<4096xi32, #tpu.memory_space<hbm>>, %arg4: memref<4096x512xi32, #tpu.memory_space<hbm>>, %arg5: memref<64xi32, #tpu.memory_space<vmem>>, %arg6: memref<64x512xi32, #tpu.memory_space<vmem>>, %arg7: memref<!tpu.dma_semaphore, #tpu.memory_space<semaphore_mem>>) attributes {dimension_semantics = [#tpu.dimension_semantics<core_parallel>, #tpu.dimension_semantics<subcore_parallel>], iteration_bounds = array<i64: 2, 16>, scalar_prefetch = 0 : i64, scratch_operands = 3 : i64, tpu.core_type = #tpu.core_type<sc_vector_subcore>, window_params = [{transform_indices = #map}, {transform_indices = #map1}, {transform_indices = #map}]} {
    %mul3A = arith.constant 2 : i32
    %mul3A_0 = arith.muli %arg1, %mul3A : i32
    %add3A = arith.addi %mul3A_0, %arg0 : i32
    %mul3A_1 = arith.constant 128 : i32
    %mul3A_2 = arith.muli %add3A, %mul3A_1 : i32
    %add3A_3 = arith.constant 0 : i32
    %add3A_4 = arith.addi %mul3A_2, %add3A_3 : i32
    "tpu.region"() ({
      %run_scoped3A = tpu.sem_alloc : memref<!tpu.dma_semaphore, #tpu.memory_space<semaphore_mem>>
      %dma_start3A_17 = tpu.memref_slice %arg3[%add3A_4] : memref<4096xi32, #tpu.memory_space<hbm>> -> memref<64xi32, #tpu.memory_space<hbm>>
      %dma_start3A_18 = tpu.memref_slice %arg3[%add3A_4] : memref<4096xi32, #tpu.memory_space<hbm>> -> memref<64xi32, #tpu.memory_space<hbm>>
      tpu.enqueue_dma source(%dma_start3A_18 : memref<64xi32, #tpu.memory_space<hbm>>) target(%arg5 : memref<64xi32, #tpu.memory_space<vmem>>) target_semaphore(%run_scoped3A : memref<!tpu.dma_semaphore, #tpu.memory_space<semaphore_mem>>)
      %dma_wait3A_19 = tpu.memref_slice %arg3[%add3A_4] : memref<4096xi32, #tpu.memory_space<hbm>> -> memref<64xi32, #tpu.memory_space<hbm>>
      %dma_wait3A_20 = tpu.memref_slice %arg3[%add3A_4] : memref<4096xi32, #tpu.memory_space<hbm>> -> memref<64xi32, #tpu.memory_space<hbm>>
      tpu.wait_dma2 semaphore(%run_scoped3A : memref<!tpu.dma_semaphore, #tpu.memory_space<semaphore_mem>>) src(%dma_wait3A_20 : memref<64xi32, #tpu.memory_space<hbm>>) dst(%arg5 : memref<64xi32, #tpu.memory_space<vmem>>)
      tpu.yield
    }) : () -> ()
    %dma_start3A = arith.constant 0 : i32
    %dma_start3A_5 = arith.constant 0 : i32
    %dma_start3A_6 = tpu.memref_slice %arg2[%dma_start3A, %dma_start3A_5] : memref<6144x512xi32, #tpu.memory_space<hbm>> -> memref<6144x512xi32, #tpu.memory_space<hbm>>
    tpu.enqueue_indirect_dma source(%dma_start3A_6 : memref<6144x512xi32, #tpu.memory_space<hbm>>) target(%arg6 : memref<64x512xi32, #tpu.memory_space<vmem>>) offsets(%arg5 : memref<64xi32, #tpu.memory_space<vmem>>) semaphore(%arg7 : memref<!tpu.dma_semaphore, #tpu.memory_space<semaphore_mem>>)
    %dma_wait3A = arith.constant 0 : i32
    %dma_wait3A_7 = arith.constant 0 : i32
    %dma_wait3A_8 = tpu.memref_slice %arg2[%dma_wait3A, %dma_wait3A_7] : memref<6144x512xi32, #tpu.memory_space<hbm>> -> memref<6144x512xi32, #tpu.memory_space<hbm>>
    tpu.wait_indirect_dma semaphore(%arg7 : memref<!tpu.dma_semaphore, #tpu.memory_space<semaphore_mem>>) src(%dma_wait3A_8 : memref<6144x512xi32, #tpu.memory_space<hbm>>) dst(%arg6 : memref<64x512xi32, #tpu.memory_space<vmem>>)
    "tpu.region"() ({
      %run_scoped3A = tpu.sem_alloc : memref<!tpu.dma_semaphore, #tpu.memory_space<semaphore_mem>>
      %dma_start3A_17 = arith.constant 0 : i32
      %dma_start3A_18 = tpu.memref_slice %arg4[%add3A_4, %dma_start3A_17] : memref<4096x512xi32, #tpu.memory_space<hbm>> -> memref<64x512xi32, #tpu.memory_space<hbm>>
      %dma_start3A_19 = arith.constant 0 : i32
      %dma_start3A_20 = tpu.memref_slice %arg4[%add3A_4, %dma_start3A_19] : memref<4096x512xi32, #tpu.memory_space<hbm>> -> memref<64x512xi32, #tpu.memory_space<hbm>>
      tpu.enqueue_dma source(%arg6 : memref<64x512xi32, #tpu.memory_space<vmem>>) target(%dma_start3A_20 : memref<64x512xi32, #tpu.memory_space<hbm>>) target_semaphore(%run_scoped3A : memref<!tpu.dma_semaphore, #tpu.memory_space<semaphore_mem>>)
      %dma_wait3A_21 = arith.constant 0 : i32
      %dma_wait3A_22 = tpu.memref_slice %arg4[%add3A_4, %dma_wait3A_21] : memref<4096x512xi32, #tpu.memory_space<hbm>> -> memref<64x512xi32, #tpu.memory_space<hbm>>
      %dma_wait3A_23 = arith.constant 0 : i32
      %dma_wait3A_24 = tpu.memref_slice %arg4[%add3A_4, %dma_wait3A_23] : memref<4096x512xi32, #tpu.memory_space<hbm>> -> memref<64x512xi32, #tpu.memory_space<hbm>>
      tpu.wait_dma2 semaphore(%run_scoped3A : memref<!tpu.dma_semaphore, #tpu.memory_space<semaphore_mem>>) src(%arg6 : memref<64x512xi32, #tpu.memory_space<vmem>>) dst(%dma_wait3A_24 : memref<64x512xi32, #tpu.memory_space<hbm>>)
      tpu.yield
    }) : () -> ()
    %add3A_9 = arith.constant 64 : i32
    %add3A_10 = arith.addi %mul3A_2, %add3A_9 : i32
    "tpu.region"() ({
      %run_scoped3A = tpu.sem_alloc : memref<!tpu.dma_semaphore, #tpu.memory_space<semaphore_mem>>
      %dma_start3A_17 = tpu.memref_slice %arg3[%add3A_10] : memref<4096xi32, #tpu.memory_space<hbm>> -> memref<64xi32, #tpu.memory_space<hbm>>
      %dma_start3A_18 = tpu.memref_slice %arg3[%add3A_10] : memref<4096xi32, #tpu.memory_space<hbm>> -> memref<64xi32, #tpu.memory_space<hbm>>
      tpu.enqueue_dma source(%dma_start3A_18 : memref<64xi32, #tpu.memory_space<hbm>>) target(%arg5 : memref<64xi32, #tpu.memory_space<vmem>>) target_semaphore(%run_scoped3A : memref<!tpu.dma_semaphore, #tpu.memory_space<semaphore_mem>>)
      %dma_wait3A_19 = tpu.memref_slice %arg3[%add3A_10] : memref<4096xi32, #tpu.memory_space<hbm>> -> memref<64xi32, #tpu.memory_space<hbm>>
      %dma_wait3A_20 = tpu.memref_slice %arg3[%add3A_10] : memref<4096xi32, #tpu.memory_space<hbm>> -> memref<64xi32, #tpu.memory_space<hbm>>
      tpu.wait_dma2 semaphore(%run_scoped3A : memref<!tpu.dma_semaphore, #tpu.memory_space<semaphore_mem>>) src(%dma_wait3A_20 : memref<64xi32, #tpu.memory_space<hbm>>) dst(%arg5 : memref<64xi32, #tpu.memory_space<vmem>>)
      tpu.yield
    }) : () -> ()
    %dma_start3A_11 = arith.constant 0 : i32
    %dma_start3A_12 = arith.constant 0 : i32
    %dma_start3A_13 = tpu.memref_slice %arg2[%dma_start3A_11, %dma_start3A_12] : memref<6144x512xi32, #tpu.memory_space<hbm>> -> memref<6144x512xi32, #tpu.memory_space<hbm>>
    tpu.enqueue_indirect_dma source(%dma_start3A_13 : memref<6144x512xi32, #tpu.memory_space<hbm>>) target(%arg6 : memref<64x512xi32, #tpu.memory_space<vmem>>) offsets(%arg5 : memref<64xi32, #tpu.memory_space<vmem>>) semaphore(%arg7 : memref<!tpu.dma_semaphore, #tpu.memory_space<semaphore_mem>>)
    %dma_wait3A_14 = arith.constant 0 : i32
    %dma_wait3A_15 = arith.constant 0 : i32
    %dma_wait3A_16 = tpu.memref_slice %arg2[%dma_wait3A_14, %dma_wait3A_15] : memref<6144x512xi32, #tpu.memory_space<hbm>> -> memref<6144x512xi32, #tpu.memory_space<hbm>>
    tpu.wait_indirect_dma semaphore(%arg7 : memref<!tpu.dma_semaphore, #tpu.memory_space<semaphore_mem>>) src(%dma_wait3A_16 : memref<6144x512xi32, #tpu.memory_space<hbm>>) dst(%arg6 : memref<64x512xi32, #tpu.memory_space<vmem>>)
    "tpu.region"() ({
      %run_scoped3A = tpu.sem_alloc : memref<!tpu.dma_semaphore, #tpu.memory_space<semaphore_mem>>
      %dma_start3A_17 = arith.constant 0 : i32
      %dma_start3A_18 = tpu.memref_slice %arg4[%add3A_10, %dma_start3A_17] : memref<4096x512xi32, #tpu.memory_space<hbm>> -> memref<64x512xi32, #tpu.memory_space<hbm>>
      %dma_start3A_19 = arith.constant 0 : i32
      %dma_start3A_20 = tpu.memref_slice %arg4[%add3A_10, %dma_start3A_19] : memref<4096x512xi32, #tpu.memory_space<hbm>> -> memref<64x512xi32, #tpu.memory_space<hbm>>
      tpu.enqueue_dma source(%arg6 : memref<64x512xi32, #tpu.memory_space<vmem>>) target(%dma_start3A_20 : memref<64x512xi32, #tpu.memory_space<hbm>>) target_semaphore(%run_scoped3A : memref<!tpu.dma_semaphore, #tpu.memory_space<semaphore_mem>>)
      %dma_wait3A_21 = arith.constant 0 : i32
      %dma_wait3A_22 = tpu.memref_slice %arg4[%add3A_10, %dma_wait3A_21] : memref<4096x512xi32, #tpu.memory_space<hbm>> -> memref<64x512xi32, #tpu.memory_space<hbm>>
      %dma_wait3A_23 = arith.constant 0 : i32
      %dma_wait3A_24 = tpu.memref_slice %arg4[%add3A_10, %dma_wait3A_23] : memref<4096x512xi32, #tpu.memory_space<hbm>> -> memref<64x512xi32, #tpu.memory_space<hbm>>
      tpu.wait_dma2 semaphore(%run_scoped3A : memref<!tpu.dma_semaphore, #tpu.memory_space<semaphore_mem>>) src(%arg6 : memref<64x512xi32, #tpu.memory_space<vmem>>) dst(%dma_wait3A_24 : memref<64x512xi32, #tpu.memory_space<hbm>>)
      tpu.yield
    }) : () -> ()
    return
  }
}

#map = affine_map<(d0, d1) -> (0, 0)>
#map1 = affine_map<(d0, d1) -> (0)>
module attributes {stable_mosaic.version = 14 : i64} {
  func.func @push_dispatch(%arg0: i32, %arg1: i32, %arg2: memref<2048x512xi32, #tpu.memory_space<hbm>>, %arg3: memref<4096xi32, #tpu.memory_space<hbm>>, %arg4: memref<6144x512xi32, #tpu.memory_space<hbm>>, %arg5: memref<64xi32, #tpu.memory_space<vmem>>, %arg6: memref<64x512xi32, #tpu.memory_space<vmem>>, %arg7: memref<!tpu.dma_semaphore, #tpu.memory_space<semaphore_mem>>) attributes {dimension_semantics = [#tpu.dimension_semantics<core_parallel>, #tpu.dimension_semantics<subcore_parallel>], iteration_bounds = array<i64: 2, 16>, scalar_prefetch = 0 : i64, scratch_operands = 3 : i64, tpu.core_type = #tpu.core_type<sc_vector_subcore>, window_params = [{transform_indices = #map}, {transform_indices = #map1}, {transform_indices = #map}]} {
    %mul3A = arith.constant 2 : i32
    %mul3A_0 = arith.muli %arg1, %mul3A : i32
    %add3A = arith.addi %mul3A_0, %arg0 : i32
    %mul3A_1 = arith.constant 128 : i32
    %mul3A_2 = arith.muli %add3A, %mul3A_1 : i32
    %add3A_3 = arith.constant 0 : i32
    %add3A_4 = arith.addi %mul3A_2, %add3A_3 : i32
    %lt3A = arith.constant 2048 : i32
    %lt3A_5 = arith.cmpi slt, %add3A_4, %lt3A : i32
    %sub3A = arith.constant 2048 : i32
    %sub3A_6 = arith.subi %add3A_4, %sub3A : i32
    %select_n3A = arith.select %lt3A_5, %add3A_4, %sub3A_6 : i32
    "tpu.region"() ({
      %run_scoped3A = tpu.sem_alloc : memref<!tpu.dma_semaphore, #tpu.memory_space<semaphore_mem>>
      %dma_start3A_26 = arith.constant 0 : i32
      %dma_start3A_27 = tpu.memref_slice %arg2[%select_n3A, %dma_start3A_26] : memref<2048x512xi32, #tpu.memory_space<hbm>> -> memref<64x512xi32, #tpu.memory_space<hbm>>
      %dma_start3A_28 = arith.constant 0 : i32
      %dma_start3A_29 = tpu.memref_slice %arg2[%select_n3A, %dma_start3A_28] : memref<2048x512xi32, #tpu.memory_space<hbm>> -> memref<64x512xi32, #tpu.memory_space<hbm>>
      tpu.enqueue_dma source(%dma_start3A_29 : memref<64x512xi32, #tpu.memory_space<hbm>>) target(%arg6 : memref<64x512xi32, #tpu.memory_space<vmem>>) target_semaphore(%run_scoped3A : memref<!tpu.dma_semaphore, #tpu.memory_space<semaphore_mem>>)
      %dma_wait3A_30 = arith.constant 0 : i32
      %dma_wait3A_31 = tpu.memref_slice %arg2[%select_n3A, %dma_wait3A_30] : memref<2048x512xi32, #tpu.memory_space<hbm>> -> memref<64x512xi32, #tpu.memory_space<hbm>>
      %dma_wait3A_32 = arith.constant 0 : i32
      %dma_wait3A_33 = tpu.memref_slice %arg2[%select_n3A, %dma_wait3A_32] : memref<2048x512xi32, #tpu.memory_space<hbm>> -> memref<64x512xi32, #tpu.memory_space<hbm>>
      tpu.wait_dma2 semaphore(%run_scoped3A : memref<!tpu.dma_semaphore, #tpu.memory_space<semaphore_mem>>) src(%dma_wait3A_33 : memref<64x512xi32, #tpu.memory_space<hbm>>) dst(%arg6 : memref<64x512xi32, #tpu.memory_space<vmem>>)
      tpu.yield
    }) : () -> ()
    "tpu.region"() ({
      %run_scoped3A = tpu.sem_alloc : memref<!tpu.dma_semaphore, #tpu.memory_space<semaphore_mem>>
      %dma_start3A_26 = tpu.memref_slice %arg3[%add3A_4] : memref<4096xi32, #tpu.memory_space<hbm>> -> memref<64xi32, #tpu.memory_space<hbm>>
      %dma_start3A_27 = tpu.memref_slice %arg3[%add3A_4] : memref<4096xi32, #tpu.memory_space<hbm>> -> memref<64xi32, #tpu.memory_space<hbm>>
      tpu.enqueue_dma source(%dma_start3A_27 : memref<64xi32, #tpu.memory_space<hbm>>) target(%arg5 : memref<64xi32, #tpu.memory_space<vmem>>) target_semaphore(%run_scoped3A : memref<!tpu.dma_semaphore, #tpu.memory_space<semaphore_mem>>)
      %dma_wait3A_28 = tpu.memref_slice %arg3[%add3A_4] : memref<4096xi32, #tpu.memory_space<hbm>> -> memref<64xi32, #tpu.memory_space<hbm>>
      %dma_wait3A_29 = tpu.memref_slice %arg3[%add3A_4] : memref<4096xi32, #tpu.memory_space<hbm>> -> memref<64xi32, #tpu.memory_space<hbm>>
      tpu.wait_dma2 semaphore(%run_scoped3A : memref<!tpu.dma_semaphore, #tpu.memory_space<semaphore_mem>>) src(%dma_wait3A_29 : memref<64xi32, #tpu.memory_space<hbm>>) dst(%arg5 : memref<64xi32, #tpu.memory_space<vmem>>)
      tpu.yield
    }) : () -> ()
    %dma_start3A = arith.constant 0 : i32
    %dma_start3A_7 = arith.constant 0 : i32
    %dma_start3A_8 = tpu.memref_slice %arg4[%dma_start3A, %dma_start3A_7] : memref<6144x512xi32, #tpu.memory_space<hbm>> -> memref<6144x512xi32, #tpu.memory_space<hbm>>
    tpu.enqueue_indirect_dma source(%arg6 : memref<64x512xi32, #tpu.memory_space<vmem>>) target(%dma_start3A_8 : memref<6144x512xi32, #tpu.memory_space<hbm>>) offsets(%arg5 : memref<64xi32, #tpu.memory_space<vmem>>) semaphore(%arg7 : memref<!tpu.dma_semaphore, #tpu.memory_space<semaphore_mem>>)
    %dma_wait3A = arith.constant 0 : i32
    %dma_wait3A_9 = arith.constant 0 : i32
    %dma_wait3A_10 = tpu.memref_slice %arg4[%dma_wait3A, %dma_wait3A_9] : memref<6144x512xi32, #tpu.memory_space<hbm>> -> memref<6144x512xi32, #tpu.memory_space<hbm>>
    tpu.wait_indirect_dma semaphore(%arg7 : memref<!tpu.dma_semaphore, #tpu.memory_space<semaphore_mem>>) src(%arg6 : memref<64x512xi32, #tpu.memory_space<vmem>>) dst(%dma_wait3A_10 : memref<6144x512xi32, #tpu.memory_space<hbm>>)
    %mul3A_11 = arith.constant 128 : i32
    %mul3A_12 = arith.muli %add3A, %mul3A_11 : i32
    %add3A_13 = arith.constant 64 : i32
    %add3A_14 = arith.addi %mul3A_12, %add3A_13 : i32
    %lt3A_15 = arith.constant 2048 : i32
    %lt3A_16 = arith.cmpi slt, %add3A_14, %lt3A_15 : i32
    %sub3A_17 = arith.constant 2048 : i32
    %sub3A_18 = arith.subi %add3A_14, %sub3A_17 : i32
    %select_n3A_19 = arith.select %lt3A_16, %add3A_14, %sub3A_18 : i32
    "tpu.region"() ({
      %run_scoped3A = tpu.sem_alloc : memref<!tpu.dma_semaphore, #tpu.memory_space<semaphore_mem>>
      %dma_start3A_26 = arith.constant 0 : i32
      %dma_start3A_27 = tpu.memref_slice %arg2[%select_n3A_19, %dma_start3A_26] : memref<2048x512xi32, #tpu.memory_space<hbm>> -> memref<64x512xi32, #tpu.memory_space<hbm>>
      %dma_start3A_28 = arith.constant 0 : i32
      %dma_start3A_29 = tpu.memref_slice %arg2[%select_n3A_19, %dma_start3A_28] : memref<2048x512xi32, #tpu.memory_space<hbm>> -> memref<64x512xi32, #tpu.memory_space<hbm>>
      tpu.enqueue_dma source(%dma_start3A_29 : memref<64x512xi32, #tpu.memory_space<hbm>>) target(%arg6 : memref<64x512xi32, #tpu.memory_space<vmem>>) target_semaphore(%run_scoped3A : memref<!tpu.dma_semaphore, #tpu.memory_space<semaphore_mem>>)
      %dma_wait3A_30 = arith.constant 0 : i32
      %dma_wait3A_31 = tpu.memref_slice %arg2[%select_n3A_19, %dma_wait3A_30] : memref<2048x512xi32, #tpu.memory_space<hbm>> -> memref<64x512xi32, #tpu.memory_space<hbm>>
      %dma_wait3A_32 = arith.constant 0 : i32
      %dma_wait3A_33 = tpu.memref_slice %arg2[%select_n3A_19, %dma_wait3A_32] : memref<2048x512xi32, #tpu.memory_space<hbm>> -> memref<64x512xi32, #tpu.memory_space<hbm>>
      tpu.wait_dma2 semaphore(%run_scoped3A : memref<!tpu.dma_semaphore, #tpu.memory_space<semaphore_mem>>) src(%dma_wait3A_33 : memref<64x512xi32, #tpu.memory_space<hbm>>) dst(%arg6 : memref<64x512xi32, #tpu.memory_space<vmem>>)
      tpu.yield
    }) : () -> ()
    "tpu.region"() ({
      %run_scoped3A = tpu.sem_alloc : memref<!tpu.dma_semaphore, #tpu.memory_space<semaphore_mem>>
      %dma_start3A_26 = tpu.memref_slice %arg3[%add3A_14] : memref<4096xi32, #tpu.memory_space<hbm>> -> memref<64xi32, #tpu.memory_space<hbm>>
      %dma_start3A_27 = tpu.memref_slice %arg3[%add3A_14] : memref<4096xi32, #tpu.memory_space<hbm>> -> memref<64xi32, #tpu.memory_space<hbm>>
      tpu.enqueue_dma source(%dma_start3A_27 : memref<64xi32, #tpu.memory_space<hbm>>) target(%arg5 : memref<64xi32, #tpu.memory_space<vmem>>) target_semaphore(%run_scoped3A : memref<!tpu.dma_semaphore, #tpu.memory_space<semaphore_mem>>)
      %dma_wait3A_28 = tpu.memref_slice %arg3[%add3A_14] : memref<4096xi32, #tpu.memory_space<hbm>> -> memref<64xi32, #tpu.memory_space<hbm>>
      %dma_wait3A_29 = tpu.memref_slice %arg3[%add3A_14] : memref<4096xi32, #tpu.memory_space<hbm>> -> memref<64xi32, #tpu.memory_space<hbm>>
      tpu.wait_dma2 semaphore(%run_scoped3A : memref<!tpu.dma_semaphore, #tpu.memory_space<semaphore_mem>>) src(%dma_wait3A_29 : memref<64xi32, #tpu.memory_space<hbm>>) dst(%arg5 : memref<64xi32, #tpu.memory_space<vmem>>)
      tpu.yield
    }) : () -> ()
    %dma_start3A_20 = arith.constant 0 : i32
    %dma_start3A_21 = arith.constant 0 : i32
    %dma_start3A_22 = tpu.memref_slice %arg4[%dma_start3A_20, %dma_start3A_21] : memref<6144x512xi32, #tpu.memory_space<hbm>> -> memref<6144x512xi32, #tpu.memory_space<hbm>>
    tpu.enqueue_indirect_dma source(%arg6 : memref<64x512xi32, #tpu.memory_space<vmem>>) target(%dma_start3A_22 : memref<6144x512xi32, #tpu.memory_space<hbm>>) offsets(%arg5 : memref<64xi32, #tpu.memory_space<vmem>>) semaphore(%arg7 : memref<!tpu.dma_semaphore, #tpu.memory_space<semaphore_mem>>)
    %dma_wait3A_23 = arith.constant 0 : i32
    %dma_wait3A_24 = arith.constant 0 : i32
    %dma_wait3A_25 = tpu.memref_slice %arg4[%dma_wait3A_23, %dma_wait3A_24] : memref<6144x512xi32, #tpu.memory_space<hbm>> -> memref<6144x512xi32, #tpu.memory_space<hbm>>
    tpu.wait_indirect_dma semaphore(%arg7 : memref<!tpu.dma_semaphore, #tpu.memory_space<semaphore_mem>>) src(%arg6 : memref<64x512xi32, #tpu.memory_space<vmem>>) dst(%dma_wait3A_25 : memref<6144x512xi32, #tpu.memory_space<hbm>>)
    return
  }
}

module attributes {stable_mosaic.version = 14 : i64} {
  func.func @_router_body(%arg0: i32, %arg1: memref<2048x1024xf32, #tpu.memory_space<vmem>>, %arg2: memref<8x1024xf32, #tpu.memory_space<vmem>>, %arg3: memref<4096x1xi32, #tpu.memory_space<vmem>>, %arg4: memref<2048x1xf32, #tpu.memory_space<vmem>>, %arg5: memref<2048x1xf32, #tpu.memory_space<vmem>>, %arg6: memref<24x1xi32, #tpu.memory_space<vmem>>, %arg7: memref<2048x1024xbf16, #tpu.memory_space<vmem>>) attributes {dimension_semantics = [#tpu.dimension_semantics<arbitrary>], iteration_bounds = array<i64: 1>, scalar_prefetch = 0 : i64, scratch_operands = 0 : i64, tpu.core_type = #tpu.core_type<tc>, window_params = [{pipeline_mode = #tpu.pipeline_mode<synchronous>, transform_indices = @transform_0, window_bounds = array<i64: 2048, 1024>}, {pipeline_mode = #tpu.pipeline_mode<synchronous>, transform_indices = @transform_1, window_bounds = array<i64: 8, 1024>}, {pipeline_mode = #tpu.pipeline_mode<synchronous>, transform_indices = @transform_2, window_bounds = array<i64: 4096, 1>}, {pipeline_mode = #tpu.pipeline_mode<synchronous>, transform_indices = @transform_3, window_bounds = array<i64: 2048, 1>}, {pipeline_mode = #tpu.pipeline_mode<synchronous>, transform_indices = @transform_4, window_bounds = array<i64: 2048, 1>}, {pipeline_mode = #tpu.pipeline_mode<synchronous>, transform_indices = @transform_5, window_bounds = array<i64: 24, 1>}, {pipeline_mode = #tpu.pipeline_mode<synchronous>, transform_indices = @transform_6, window_bounds = array<i64: 2048, 1024>}]} {
    %get3A = arith.constant 0 : index
    %get3A_0 = arith.constant 0 : index
    %get3A_1 = vector.load %arg1[%get3A, %get3A_0] : memref<2048x1024xf32, #tpu.memory_space<vmem>>, vector<2048x1024xf32>
    %convert_element_type3A = arith.truncf %get3A_1 : vector<2048x1024xf32> to vector<2048x1024xbf16>
    %swap3A = arith.constant 0 : index
    %swap3A_2 = arith.constant 0 : index
    %swap3A_3 = vector.load %arg7[%swap3A, %swap3A_2] : memref<2048x1024xbf16, #tpu.memory_space<vmem>>, vector<2048x1024xbf16>
    tpu.vector_store %arg7[%swap3A, %swap3A_2], %convert_element_type3A {strides = array<i32>} : memref<2048x1024xbf16, #tpu.memory_space<vmem>>, vector<2048x1024xbf16>,
    %get3A_4 = arith.constant 0 : index
    %get3A_5 = arith.constant 0 : index
    %get3A_6 = vector.load %arg2[%get3A_4, %get3A_5] : memref<8x1024xf32, #tpu.memory_space<vmem>>, vector<8x1024xf32>
    %dot_general3A = arith.constant dense<0.000000e+00> : vector<2048x8xf32>
    %dot_general3A_7 = tpu.matmul %get3A_1, %get3A_6, %dot_general3A {dimension_numbers = #tpu.dot_dimension_numbers<[1], [1], [0], [0], [0, 0, 1, 0], [], []>, transpose_lhs_hint = false} : vector<2048x1024xf32>, vector<8x1024xf32>, vector<2048x8xf32> -> vector<2048x8xf32>
    %reduce_max3A = arith.constant dense<0xFF800000> : vector<2048xf32>
    %reduce_max3A_8 = vector.multi_reduction <maximumf>, %dot_general3A_7, %reduce_max3A [1] : vector<2048x8xf32> to vector<2048xf32>
    %broadcast_in_dim3A = vector.shape_cast %reduce_max3A_8 : vector<2048xf32> to vector<2048x1xf32>
    %sub3A = vector.broadcast %broadcast_in_dim3A : vector<2048x1xf32> to vector<2048x8xf32>
    %sub3A_9 = arith.subf %dot_general3A_7, %sub3A : vector<2048x8xf32>
    %exp3A = math.exp %sub3A_9 : vector<2048x8xf32>
    %reduce_sum3A = arith.constant dense<0.000000e+00> : vector<2048xf32>
    %reduce_sum3A_10 = vector.multi_reduction <add>, %exp3A, %reduce_sum3A [1] : vector<2048x8xf32> to vector<2048xf32>
    %broadcast_in_dim3A_11 = vector.shape_cast %reduce_sum3A_10 : vector<2048xf32> to vector<2048x1xf32>
    %div3A = vector.broadcast %broadcast_in_dim3A_11 : vector<2048x1xf32> to vector<2048x8xf32>
    %div3A_12 = arith.divf %exp3A, %div3A : vector<2048x8xf32>
    %iota3A = tpu.iota {dimensions = array<i32: 1>} : vector<2048x8xi32>
    %reduce_max3A_13 = arith.constant dense<0xFF800000> : vector<2048xf32>
    %reduce_max3A_14 = vector.multi_reduction <maximumf>, %div3A_12, %reduce_max3A_13 [1] : vector<2048x8xf32> to vector<2048xf32>
    %broadcast_in_dim3A_15 = vector.shape_cast %reduce_max3A_14 : vector<2048xf32> to vector<2048x1xf32>
    %eq3A = vector.broadcast %broadcast_in_dim3A_15 : vector<2048x1xf32> to vector<2048x8xf32>
    %eq3A_16 = arith.cmpf oeq, %div3A_12, %eq3A : vector<2048x8xf32>
    %jit3A = arith.constant 8 : i32
    %broadcast_in_dim3A_17 = vector.broadcast %jit3A : i32 to vector<2048x8xi32>
    %select_n3A = arith.select %eq3A_16, %iota3A, %broadcast_in_dim3A_17 : vector<2048x8xi1>, vector<2048x8xi32>
    %reduce_min3A = arith.constant dense<2147483647> : vector<2048xi32>
    %reduce_min3A_18 = vector.multi_reduction <minsi>, %select_n3A, %reduce_min3A [1] : vector<2048x8xi32> to vector<2048xi32>
    %broadcast_in_dim3A_19 = vector.shape_cast %reduce_min3A_18 : vector<2048xi32> to vector<2048x1xi32>
    %eq3A_20 = vector.broadcast %broadcast_in_dim3A_19 : vector<2048x1xi32> to vector<2048x8xi32>
    %eq3A_21 = arith.cmpi eq, %iota3A, %eq3A_20 : vector<2048x8xi32>
    %jit3A_22 = arith.constant 0xFF800000 : f32
    %broadcast_in_dim3A_23 = vector.broadcast %jit3A_22 : f32 to vector<2048x8xf32>
    %select_n3A_24 = arith.select %eq3A_21, %broadcast_in_dim3A_23, %div3A_12 : vector<2048x8xi1>, vector<2048x8xf32>
    %reduce_max3A_25 = arith.constant dense<0xFF800000> : vector<2048xf32>
    %reduce_max3A_26 = vector.multi_reduction <maximumf>, %select_n3A_24, %reduce_max3A_25 [1] : vector<2048x8xf32> to vector<2048xf32>
    %broadcast_in_dim3A_27 = vector.shape_cast %reduce_max3A_26 : vector<2048xf32> to vector<2048x1xf32>
    %eq3A_28 = vector.broadcast %broadcast_in_dim3A_27 : vector<2048x1xf32> to vector<2048x8xf32>
    %eq3A_29 = arith.cmpf oeq, %select_n3A_24, %eq3A_28 : vector<2048x8xf32>
    %jit3A_30 = arith.constant 8 : i32
    %broadcast_in_dim3A_31 = vector.broadcast %jit3A_30 : i32 to vector<2048x8xi32>
    %select_n3A_32 = arith.select %eq3A_29, %iota3A, %broadcast_in_dim3A_31 : vector<2048x8xi1>, vector<2048x8xi32>
    %reduce_min3A_33 = arith.constant dense<2147483647> : vector<2048xi32>
    %reduce_min3A_34 = vector.multi_reduction <minsi>, %select_n3A_32, %reduce_min3A_33 [1] : vector<2048x8xi32> to vector<2048xi32>
    %broadcast_in_dim3A_35 = vector.shape_cast %reduce_min3A_34 : vector<2048xi32> to vector<2048x1xi32>
    %eq3A_36 = vector.broadcast %broadcast_in_dim3A_35 : vector<2048x1xi32> to vector<2048x8xi32>
    %eq3A_37 = arith.cmpi eq, %iota3A, %eq3A_36 : vector<2048x8xi32>
    %add3A = arith.addf %broadcast_in_dim3A_15, %broadcast_in_dim3A_27 : vector<2048x1xf32>
    %div3A_38 = arith.divf %broadcast_in_dim3A_15, %add3A : vector<2048x1xf32>
    %swap3A_39 = arith.constant 0 : index
    %swap3A_40 = arith.constant 0 : index
    %swap3A_41 = vector.load %arg4[%swap3A_39, %swap3A_40] : memref<2048x1xf32, #tpu.memory_space<vmem>>, vector<2048x1xf32>
    tpu.vector_store %arg4[%swap3A_39, %swap3A_40], %div3A_38 {strides = array<i32>} : memref<2048x1xf32, #tpu.memory_space<vmem>>, vector<2048x1xf32>,
    %div3A_42 = arith.divf %broadcast_in_dim3A_27, %add3A : vector<2048x1xf32>
    %swap3A_43 = arith.constant 0 : index
    %swap3A_44 = arith.constant 0 : index
    %swap3A_45 = vector.load %arg5[%swap3A_43, %swap3A_44] : memref<2048x1xf32, #tpu.memory_space<vmem>>, vector<2048x1xf32>
    tpu.vector_store %arg5[%swap3A_43, %swap3A_44], %div3A_42 {strides = array<i32>} : memref<2048x1xf32, #tpu.memory_space<vmem>>, vector<2048x1xf32>,
    %convert_element_type3A_46 = arith.extui %eq3A_21 : vector<2048x8xi1> to vector<2048x8xi32>
    %convert_element_type3A_47 = arith.sitofp %convert_element_type3A_46 : vector<2048x8xi32> to vector<2048x8xf32>
    %convert_element_type3A_48 = arith.truncf %convert_element_type3A_47 : vector<2048x8xf32> to vector<2048x8xbf16>
    %iota3A_49 = tpu.iota {dimensions = array<i32: 0>} : vector<256x256xi32>
    %iota3A_50 = tpu.iota {dimensions = array<i32: 1>} : vector<256x256xi32>
    %ge3A = arith.cmpi sge, %iota3A_49, %iota3A_50 : vector<256x256xi32>
    %convert_element_type3A_51 = arith.extui %ge3A : vector<256x256xi1> to vector<256x256xi32>
    %convert_element_type3A_52 = arith.sitofp %convert_element_type3A_51 : vector<256x256xi32> to vector<256x256xf32>
    %convert_element_type3A_53 = arith.truncf %convert_element_type3A_52 : vector<256x256xf32> to vector<256x256xbf16>
    %slice3A = vector.extract_strided_slice %convert_element_type3A_48 {offsets = [0, 0], sizes = [256, 8], strides = [1, 1]} : vector<2048x8xbf16> to vector<256x8xbf16>
    %dot_general3A_54 = arith.constant dense<0.000000e+00> : vector<256x8xf32>
    %dot_general3A_55 = tpu.matmul %convert_element_type3A_53, %slice3A, %dot_general3A_54 {dimension_numbers = #tpu.dot_dimension_numbers<[1], [0], [0], [1], [0, 0, 1, 1], [], []>, transpose_lhs_hint = false} : vector<256x256xbf16>, vector<256x8xbf16>, vector<256x8xf32> -> vector<256x8xf32>
    %slice3A_56 = vector.extract_strided_slice %dot_general3A_55 {offsets = [255, 0], sizes = [1, 8], strides = [1, 1]} : vector<256x8xf32> to vector<1x8xf32>
    %slice3A_57 = vector.extract_strided_slice %convert_element_type3A_48 {offsets = [256, 0], sizes = [256, 8], strides = [1, 1]} : vector<2048x8xbf16> to vector<256x8xbf16>
    %dot_general3A_58 = arith.constant dense<0.000000e+00> : vector<256x8xf32>
    %dot_general3A_59 = tpu.matmul %convert_element_type3A_53, %slice3A_57, %dot_general3A_58 {dimension_numbers = #tpu.dot_dimension_numbers<[1], [0], [0], [1], [0, 0, 1, 1], [], []>, transpose_lhs_hint = false} : vector<256x256xbf16>, vector<256x8xbf16>, vector<256x8xf32> -> vector<256x8xf32>
    %slice3A_60 = vector.extract_strided_slice %dot_general3A_59 {offsets = [255, 0], sizes = [1, 8], strides = [1, 1]} : vector<256x8xf32> to vector<1x8xf32>
    %slice3A_61 = vector.extract_strided_slice %convert_element_type3A_48 {offsets = [512, 0], sizes = [256, 8], strides = [1, 1]} : vector<2048x8xbf16> to vector<256x8xbf16>
    %dot_general3A_62 = arith.constant dense<0.000000e+00> : vector<256x8xf32>
    %dot_general3A_63 = tpu.matmul %convert_element_type3A_53, %slice3A_61, %dot_general3A_62 {dimension_numbers = #tpu.dot_dimension_numbers<[1], [0], [0], [1], [0, 0, 1, 1], [], []>, transpose_lhs_hint = false} : vector<256x256xbf16>, vector<256x8xbf16>, vector<256x8xf32> -> vector<256x8xf32>
    %slice3A_64 = vector.extract_strided_slice %dot_general3A_63 {offsets = [255, 0], sizes = [1, 8], strides = [1, 1]} : vector<256x8xf32> to vector<1x8xf32>
    %slice3A_65 = vector.extract_strided_slice %convert_element_type3A_48 {offsets = [768, 0], sizes = [256, 8], strides = [1, 1]} : vector<2048x8xbf16> to vector<256x8xbf16>
    %dot_general3A_66 = arith.constant dense<0.000000e+00> : vector<256x8xf32>
    %dot_general3A_67 = tpu.matmul %convert_element_type3A_53, %slice3A_65, %dot_general3A_66 {dimension_numbers = #tpu.dot_dimension_numbers<[1], [0], [0], [1], [0, 0, 1, 1], [], []>, transpose_lhs_hint = false} : vector<256x256xbf16>, vector<256x8xbf16>, vector<256x8xf32> -> vector<256x8xf32>
    %slice3A_68 = vector.extract_strided_slice %dot_general3A_67 {offsets = [255, 0], sizes = [1, 8], strides = [1, 1]} : vector<256x8xf32> to vector<1x8xf32>
    %slice3A_69 = vector.extract_strided_slice %convert_element_type3A_48 {offsets = [1024, 0], sizes = [256, 8], strides = [1, 1]} : vector<2048x8xbf16> to vector<256x8xbf16>
    %dot_general3A_70 = arith.constant dense<0.000000e+00> : vector<256x8xf32>
    %dot_general3A_71 = tpu.matmul %convert_element_type3A_53, %slice3A_69, %dot_general3A_70 {dimension_numbers = #tpu.dot_dimension_numbers<[1], [0], [0], [1], [0, 0, 1, 1], [], []>, transpose_lhs_hint = false} : vector<256x256xbf16>, vector<256x8xbf16>, vector<256x8xf32> -> vector<256x8xf32>
    %slice3A_72 = vector.extract_strided_slice %dot_general3A_71 {offsets = [255, 0], sizes = [1, 8], strides = [1, 1]} : vector<256x8xf32> to vector<1x8xf32>
    %slice3A_73 = vector.extract_strided_slice %convert_element_type3A_48 {offsets = [1280, 0], sizes = [256, 8], strides = [1, 1]} : vector<2048x8xbf16> to vector<256x8xbf16>
    %dot_general3A_74 = arith.constant dense<0.000000e+00> : vector<256x8xf32>
    %dot_general3A_75 = tpu.matmul %convert_element_type3A_53, %slice3A_73, %dot_general3A_74 {dimension_numbers = #tpu.dot_dimension_numbers<[1], [0], [0], [1], [0, 0, 1, 1], [], []>, transpose_lhs_hint = false} : vector<256x256xbf16>, vector<256x8xbf16>, vector<256x8xf32> -> vector<256x8xf32>
    %slice3A_76 = vector.extract_strided_slice %dot_general3A_75 {offsets = [255, 0], sizes = [1, 8], strides = [1, 1]} : vector<256x8xf32> to vector<1x8xf32>
    %slice3A_77 = vector.extract_strided_slice %convert_element_type3A_48 {offsets = [1536, 0], sizes = [256, 8], strides = [1, 1]} : vector<2048x8xbf16> to vector<256x8xbf16>
    %dot_general3A_78 = arith.constant dense<0.000000e+00> : vector<256x8xf32>
    %dot_general3A_79 = tpu.matmul %convert_element_type3A_53, %slice3A_77, %dot_general3A_78 {dimension_numbers = #tpu.dot_dimension_numbers<[1], [0], [0], [1], [0, 0, 1, 1], [], []>, transpose_lhs_hint = false} : vector<256x256xbf16>, vector<256x8xbf16>, vector<256x8xf32> -> vector<256x8xf32>
    %slice3A_80 = vector.extract_strided_slice %dot_general3A_79 {offsets = [255, 0], sizes = [1, 8], strides = [1, 1]} : vector<256x8xf32> to vector<1x8xf32>
    %slice3A_81 = vector.extract_strided_slice %convert_element_type3A_48 {offsets = [1792, 0], sizes = [256, 8], strides = [1, 1]} : vector<2048x8xbf16> to vector<256x8xbf16>
    %dot_general3A_82 = arith.constant dense<0.000000e+00> : vector<256x8xf32>
    %dot_general3A_83 = tpu.matmul %convert_element_type3A_53, %slice3A_81, %dot_general3A_82 {dimension_numbers = #tpu.dot_dimension_numbers<[1], [0], [0], [1], [0, 0, 1, 1], [], []>, transpose_lhs_hint = false} : vector<256x256xbf16>, vector<256x8xbf16>, vector<256x8xf32> -> vector<256x8xf32>
    %slice3A_84 = vector.extract_strided_slice %dot_general3A_83 {offsets = [255, 0], sizes = [1, 8], strides = [1, 1]} : vector<256x8xf32> to vector<1x8xf32>
    %concatenate3A = tpu.concatenate %slice3A_56, %slice3A_60, %slice3A_64, %slice3A_68, %slice3A_72, %slice3A_76, %slice3A_80, %slice3A_84 in 0 : vector<1x8xf32>, vector<1x8xf32>, vector<1x8xf32>, vector<1x8xf32>, vector<1x8xf32>, vector<1x8xf32>, vector<1x8xf32>, vector<1x8xf32> -> vector<8x8xf32>
    %iota3A_85 = tpu.iota {dimensions = array<i32: 0>} : vector<8x8xi32>
    %iota3A_86 = tpu.iota {dimensions = array<i32: 1>} : vector<8x8xi32>
    %lt3A = arith.cmpi slt, %iota3A_85, %iota3A_86 : vector<8x8xi32>
    %convert_element_type3A_87 = arith.extui %lt3A : vector<8x8xi1> to vector<8x8xi32>
    %convert_element_type3A_88 = arith.sitofp %convert_element_type3A_87 : vector<8x8xi32> to vector<8x8xf32>
    %dot_general3A_89 = arith.constant dense<0.000000e+00> : vector<8x8xf32>
    %dot_general3A_90 = tpu.matmul %convert_element_type3A_88, %concatenate3A, %dot_general3A_89 {dimension_numbers = #tpu.dot_dimension_numbers<[0], [0], [1], [1], [0, 1, 1, 1], [], []>, transpose_lhs_hint = false} : vector<8x8xf32>, vector<8x8xf32>, vector<8x8xf32> -> vector<8x8xf32>
    %slice3A_91 = vector.extract_strided_slice %dot_general3A_90 {offsets = [0, 0], sizes = [1, 8], strides = [1, 1]} : vector<8x8xf32> to vector<1x8xf32>
    %add3A_92 = vector.broadcast %slice3A_91 : vector<1x8xf32> to vector<256x8xf32>
    %add3A_93 = arith.addf %dot_general3A_55, %add3A_92 : vector<256x8xf32>
    %slice3A_94 = vector.extract_strided_slice %dot_general3A_90 {offsets = [1, 0], sizes = [1, 8], strides = [1, 1]} : vector<8x8xf32> to vector<1x8xf32>
    %add3A_95 = vector.broadcast %slice3A_94 : vector<1x8xf32> to vector<256x8xf32>
    %add3A_96 = arith.addf %dot_general3A_59, %add3A_95 : vector<256x8xf32>
    %slice3A_97 = vector.extract_strided_slice %dot_general3A_90 {offsets = [2, 0], sizes = [1, 8], strides = [1, 1]} : vector<8x8xf32> to vector<1x8xf32>
    %add3A_98 = vector.broadcast %slice3A_97 : vector<1x8xf32> to vector<256x8xf32>
    %add3A_99 = arith.addf %dot_general3A_63, %add3A_98 : vector<256x8xf32>
    %slice3A_100 = vector.extract_strided_slice %dot_general3A_90 {offsets = [3, 0], sizes = [1, 8], strides = [1, 1]} : vector<8x8xf32> to vector<1x8xf32>
    %add3A_101 = vector.broadcast %slice3A_100 : vector<1x8xf32> to vector<256x8xf32>
    %add3A_102 = arith.addf %dot_general3A_67, %add3A_101 : vector<256x8xf32>
    %slice3A_103 = vector.extract_strided_slice %dot_general3A_90 {offsets = [4, 0], sizes = [1, 8], strides = [1, 1]} : vector<8x8xf32> to vector<1x8xf32>
    %add3A_104 = vector.broadcast %slice3A_103 : vector<1x8xf32> to vector<256x8xf32>
    %add3A_105 = arith.addf %dot_general3A_71, %add3A_104 : vector<256x8xf32>
    %slice3A_106 = vector.extract_strided_slice %dot_general3A_90 {offsets = [5, 0], sizes = [1, 8], strides = [1, 1]} : vector<8x8xf32> to vector<1x8xf32>
    %add3A_107 = vector.broadcast %slice3A_106 : vector<1x8xf32> to vector<256x8xf32>
    %add3A_108 = arith.addf %dot_general3A_75, %add3A_107 : vector<256x8xf32>
    %slice3A_109 = vector.extract_strided_slice %dot_general3A_90 {offsets = [6, 0], sizes = [1, 8], strides = [1, 1]} : vector<8x8xf32> to vector<1x8xf32>
    %add3A_110 = vector.broadcast %slice3A_109 : vector<1x8xf32> to vector<256x8xf32>
    %add3A_111 = arith.addf %dot_general3A_79, %add3A_110 : vector<256x8xf32>
    %slice3A_112 = vector.extract_strided_slice %dot_general3A_90 {offsets = [7, 0], sizes = [1, 8], strides = [1, 1]} : vector<8x8xf32> to vector<1x8xf32>
    %add3A_113 = vector.broadcast %slice3A_112 : vector<1x8xf32> to vector<256x8xf32>
    %add3A_114 = arith.addf %dot_general3A_83, %add3A_113 : vector<256x8xf32>
    %concatenate3A_115 = tpu.concatenate %add3A_93, %add3A_96, %add3A_99, %add3A_102, %add3A_105, %add3A_108, %add3A_111, %add3A_114 in 0 : vector<256x8xf32>, vector<256x8xf32>, vector<256x8xf32>, vector<256x8xf32>, vector<256x8xf32>, vector<256x8xf32>, vector<256x8xf32>, vector<256x8xf32> -> vector<2048x8xf32>
    %slice3A_116 = vector.extract_strided_slice %dot_general3A_90 {offsets = [7, 0], sizes = [1, 8], strides = [1, 1]} : vector<8x8xf32> to vector<1x8xf32>
    %slice3A_117 = vector.extract_strided_slice %concatenate3A {offsets = [7, 0], sizes = [1, 8], strides = [1, 1]} : vector<8x8xf32> to vector<1x8xf32>
    %add3A_118 = arith.addf %slice3A_116, %slice3A_117 : vector<1x8xf32>
    %convert_element_type3A_119 = arith.extui %eq3A_37 : vector<2048x8xi1> to vector<2048x8xi32>
    %convert_element_type3A_120 = arith.sitofp %convert_element_type3A_119 : vector<2048x8xi32> to vector<2048x8xf32>
    %convert_element_type3A_121 = arith.truncf %convert_element_type3A_120 : vector<2048x8xf32> to vector<2048x8xbf16>
    %iota3A_122 = tpu.iota {dimensions = array<i32: 0>} : vector<256x256xi32>
    %iota3A_123 = tpu.iota {dimensions = array<i32: 1>} : vector<256x256xi32>
    %ge3A_124 = arith.cmpi sge, %iota3A_122, %iota3A_123 : vector<256x256xi32>
    %convert_element_type3A_125 = arith.extui %ge3A_124 : vector<256x256xi1> to vector<256x256xi32>
    %convert_element_type3A_126 = arith.sitofp %convert_element_type3A_125 : vector<256x256xi32> to vector<256x256xf32>
    %convert_element_type3A_127 = arith.truncf %convert_element_type3A_126 : vector<256x256xf32> to vector<256x256xbf16>
    %slice3A_128 = vector.extract_strided_slice %convert_element_type3A_121 {offsets = [0, 0], sizes = [256, 8], strides = [1, 1]} : vector<2048x8xbf16> to vector<256x8xbf16>
    %dot_general3A_129 = arith.constant dense<0.000000e+00> : vector<256x8xf32>
    %dot_general3A_130 = tpu.matmul %convert_element_type3A_127, %slice3A_128, %dot_general3A_129 {dimension_numbers = #tpu.dot_dimension_numbers<[1], [0], [0], [1], [0, 0, 1, 1], [], []>, transpose_lhs_hint = false} : vector<256x256xbf16>, vector<256x8xbf16>, vector<256x8xf32> -> vector<256x8xf32>
    %slice3A_131 = vector.extract_strided_slice %dot_general3A_130 {offsets = [255, 0], sizes = [1, 8], strides = [1, 1]} : vector<256x8xf32> to vector<1x8xf32>
    %slice3A_132 = vector.extract_strided_slice %convert_element_type3A_121 {offsets = [256, 0], sizes = [256, 8], strides = [1, 1]} : vector<2048x8xbf16> to vector<256x8xbf16>
    %dot_general3A_133 = arith.constant dense<0.000000e+00> : vector<256x8xf32>
    %dot_general3A_134 = tpu.matmul %convert_element_type3A_127, %slice3A_132, %dot_general3A_133 {dimension_numbers = #tpu.dot_dimension_numbers<[1], [0], [0], [1], [0, 0, 1, 1], [], []>, transpose_lhs_hint = false} : vector<256x256xbf16>, vector<256x8xbf16>, vector<256x8xf32> -> vector<256x8xf32>
    %slice3A_135 = vector.extract_strided_slice %dot_general3A_134 {offsets = [255, 0], sizes = [1, 8], strides = [1, 1]} : vector<256x8xf32> to vector<1x8xf32>
    %slice3A_136 = vector.extract_strided_slice %convert_element_type3A_121 {offsets = [512, 0], sizes = [256, 8], strides = [1, 1]} : vector<2048x8xbf16> to vector<256x8xbf16>
    %dot_general3A_137 = arith.constant dense<0.000000e+00> : vector<256x8xf32>
    %dot_general3A_138 = tpu.matmul %convert_element_type3A_127, %slice3A_136, %dot_general3A_137 {dimension_numbers = #tpu.dot_dimension_numbers<[1], [0], [0], [1], [0, 0, 1, 1], [], []>, transpose_lhs_hint = false} : vector<256x256xbf16>, vector<256x8xbf16>, vector<256x8xf32> -> vector<256x8xf32>
    %slice3A_139 = vector.extract_strided_slice %dot_general3A_138 {offsets = [255, 0], sizes = [1, 8], strides = [1, 1]} : vector<256x8xf32> to vector<1x8xf32>
    %slice3A_140 = vector.extract_strided_slice %convert_element_type3A_121 {offsets = [768, 0], sizes = [256, 8], strides = [1, 1]} : vector<2048x8xbf16> to vector<256x8xbf16>
    %dot_general3A_141 = arith.constant dense<0.000000e+00> : vector<256x8xf32>
    %dot_general3A_142 = tpu.matmul %convert_element_type3A_127, %slice3A_140, %dot_general3A_141 {dimension_numbers = #tpu.dot_dimension_numbers<[1], [0], [0], [1], [0, 0, 1, 1], [], []>, transpose_lhs_hint = false} : vector<256x256xbf16>, vector<256x8xbf16>, vector<256x8xf32> -> vector<256x8xf32>
    %slice3A_143 = vector.extract_strided_slice %dot_general3A_142 {offsets = [255, 0], sizes = [1, 8], strides = [1, 1]} : vector<256x8xf32> to vector<1x8xf32>
    %slice3A_144 = vector.extract_strided_slice %convert_element_type3A_121 {offsets = [1024, 0], sizes = [256, 8], strides = [1, 1]} : vector<2048x8xbf16> to vector<256x8xbf16>
    %dot_general3A_145 = arith.constant dense<0.000000e+00> : vector<256x8xf32>
    %dot_general3A_146 = tpu.matmul %convert_element_type3A_127, %slice3A_144, %dot_general3A_145 {dimension_numbers = #tpu.dot_dimension_numbers<[1], [0], [0], [1], [0, 0, 1, 1], [], []>, transpose_lhs_hint = false} : vector<256x256xbf16>, vector<256x8xbf16>, vector<256x8xf32> -> vector<256x8xf32>
    %slice3A_147 = vector.extract_strided_slice %dot_general3A_146 {offsets = [255, 0], sizes = [1, 8], strides = [1, 1]} : vector<256x8xf32> to vector<1x8xf32>
    %slice3A_148 = vector.extract_strided_slice %convert_element_type3A_121 {offsets = [1280, 0], sizes = [256, 8], strides = [1, 1]} : vector<2048x8xbf16> to vector<256x8xbf16>
    %dot_general3A_149 = arith.constant dense<0.000000e+00> : vector<256x8xf32>
    %dot_general3A_150 = tpu.matmul %convert_element_type3A_127, %slice3A_148, %dot_general3A_149 {dimension_numbers = #tpu.dot_dimension_numbers<[1], [0], [0], [1], [0, 0, 1, 1], [], []>, transpose_lhs_hint = false} : vector<256x256xbf16>, vector<256x8xbf16>, vector<256x8xf32> -> vector<256x8xf32>
    %slice3A_151 = vector.extract_strided_slice %dot_general3A_150 {offsets = [255, 0], sizes = [1, 8], strides = [1, 1]} : vector<256x8xf32> to vector<1x8xf32>
    %slice3A_152 = vector.extract_strided_slice %convert_element_type3A_121 {offsets = [1536, 0], sizes = [256, 8], strides = [1, 1]} : vector<2048x8xbf16> to vector<256x8xbf16>
    %dot_general3A_153 = arith.constant dense<0.000000e+00> : vector<256x8xf32>
    %dot_general3A_154 = tpu.matmul %convert_element_type3A_127, %slice3A_152, %dot_general3A_153 {dimension_numbers = #tpu.dot_dimension_numbers<[1], [0], [0], [1], [0, 0, 1, 1], [], []>, transpose_lhs_hint = false} : vector<256x256xbf16>, vector<256x8xbf16>, vector<256x8xf32> -> vector<256x8xf32>
    %slice3A_155 = vector.extract_strided_slice %dot_general3A_154 {offsets = [255, 0], sizes = [1, 8], strides = [1, 1]} : vector<256x8xf32> to vector<1x8xf32>
    %slice3A_156 = vector.extract_strided_slice %convert_element_type3A_121 {offsets = [1792, 0], sizes = [256, 8], strides = [1, 1]} : vector<2048x8xbf16> to vector<256x8xbf16>
    %dot_general3A_157 = arith.constant dense<0.000000e+00> : vector<256x8xf32>
    %dot_general3A_158 = tpu.matmul %convert_element_type3A_127, %slice3A_156, %dot_general3A_157 {dimension_numbers = #tpu.dot_dimension_numbers<[1], [0], [0], [1], [0, 0, 1, 1], [], []>, transpose_lhs_hint = false} : vector<256x256xbf16>, vector<256x8xbf16>, vector<256x8xf32> -> vector<256x8xf32>
    %slice3A_159 = vector.extract_strided_slice %dot_general3A_158 {offsets = [255, 0], sizes = [1, 8], strides = [1, 1]} : vector<256x8xf32> to vector<1x8xf32>
    %concatenate3A_160 = tpu.concatenate %slice3A_131, %slice3A_135, %slice3A_139, %slice3A_143, %slice3A_147, %slice3A_151, %slice3A_155, %slice3A_159 in 0 : vector<1x8xf32>, vector<1x8xf32>, vector<1x8xf32>, vector<1x8xf32>, vector<1x8xf32>, vector<1x8xf32>, vector<1x8xf32>, vector<1x8xf32> -> vector<8x8xf32>
    %iota3A_161 = tpu.iota {dimensions = array<i32: 0>} : vector<8x8xi32>
    %iota3A_162 = tpu.iota {dimensions = array<i32: 1>} : vector<8x8xi32>
    %lt3A_163 = arith.cmpi slt, %iota3A_161, %iota3A_162 : vector<8x8xi32>
    %convert_element_type3A_164 = arith.extui %lt3A_163 : vector<8x8xi1> to vector<8x8xi32>
    %convert_element_type3A_165 = arith.sitofp %convert_element_type3A_164 : vector<8x8xi32> to vector<8x8xf32>
    %dot_general3A_166 = arith.constant dense<0.000000e+00> : vector<8x8xf32>
    %dot_general3A_167 = tpu.matmul %convert_element_type3A_165, %concatenate3A_160, %dot_general3A_166 {dimension_numbers = #tpu.dot_dimension_numbers<[0], [0], [1], [1], [0, 1, 1, 1], [], []>, transpose_lhs_hint = false} : vector<8x8xf32>, vector<8x8xf32>, vector<8x8xf32> -> vector<8x8xf32>
    %slice3A_168 = vector.extract_strided_slice %dot_general3A_167 {offsets = [0, 0], sizes = [1, 8], strides = [1, 1]} : vector<8x8xf32> to vector<1x8xf32>
    %add3A_169 = vector.broadcast %slice3A_168 : vector<1x8xf32> to vector<256x8xf32>
    %add3A_170 = arith.addf %dot_general3A_130, %add3A_169 : vector<256x8xf32>
    %slice3A_171 = vector.extract_strided_slice %dot_general3A_167 {offsets = [1, 0], sizes = [1, 8], strides = [1, 1]} : vector<8x8xf32> to vector<1x8xf32>
    %add3A_172 = vector.broadcast %slice3A_171 : vector<1x8xf32> to vector<256x8xf32>
    %add3A_173 = arith.addf %dot_general3A_134, %add3A_172 : vector<256x8xf32>
    %slice3A_174 = vector.extract_strided_slice %dot_general3A_167 {offsets = [2, 0], sizes = [1, 8], strides = [1, 1]} : vector<8x8xf32> to vector<1x8xf32>
    %add3A_175 = vector.broadcast %slice3A_174 : vector<1x8xf32> to vector<256x8xf32>
    %add3A_176 = arith.addf %dot_general3A_138, %add3A_175 : vector<256x8xf32>
    %slice3A_177 = vector.extract_strided_slice %dot_general3A_167 {offsets = [3, 0], sizes = [1, 8], strides = [1, 1]} : vector<8x8xf32> to vector<1x8xf32>
    %add3A_178 = vector.broadcast %slice3A_177 : vector<1x8xf32> to vector<256x8xf32>
    %add3A_179 = arith.addf %dot_general3A_142, %add3A_178 : vector<256x8xf32>
    %slice3A_180 = vector.extract_strided_slice %dot_general3A_167 {offsets = [4, 0], sizes = [1, 8], strides = [1, 1]} : vector<8x8xf32> to vector<1x8xf32>
    %add3A_181 = vector.broadcast %slice3A_180 : vector<1x8xf32> to vector<256x8xf32>
    %add3A_182 = arith.addf %dot_general3A_146, %add3A_181 : vector<256x8xf32>
    %slice3A_183 = vector.extract_strided_slice %dot_general3A_167 {offsets = [5, 0], sizes = [1, 8], strides = [1, 1]} : vector<8x8xf32> to vector<1x8xf32>
    %add3A_184 = vector.broadcast %slice3A_183 : vector<1x8xf32> to vector<256x8xf32>
    %add3A_185 = arith.addf %dot_general3A_150, %add3A_184 : vector<256x8xf32>
    %slice3A_186 = vector.extract_strided_slice %dot_general3A_167 {offsets = [6, 0], sizes = [1, 8], strides = [1, 1]} : vector<8x8xf32> to vector<1x8xf32>
    %add3A_187 = vector.broadcast %slice3A_186 : vector<1x8xf32> to vector<256x8xf32>
    %add3A_188 = arith.addf %dot_general3A_154, %add3A_187 : vector<256x8xf32>
    %slice3A_189 = vector.extract_strided_slice %dot_general3A_167 {offsets = [7, 0], sizes = [1, 8], strides = [1, 1]} : vector<8x8xf32> to vector<1x8xf32>
    %add3A_190 = vector.broadcast %slice3A_189 : vector<1x8xf32> to vector<256x8xf32>
    %add3A_191 = arith.addf %dot_general3A_158, %add3A_190 : vector<256x8xf32>
    %concatenate3A_192 = tpu.concatenate %add3A_170, %add3A_173, %add3A_176, %add3A_179, %add3A_182, %add3A_185, %add3A_188, %add3A_191 in 0 : vector<256x8xf32>, vector<256x8xf32>, vector<256x8xf32>, vector<256x8xf32>, vector<256x8xf32>, vector<256x8xf32>, vector<256x8xf32>, vector<256x8xf32> -> vector<2048x8xf32>
    %slice3A_193 = vector.extract_strided_slice %dot_general3A_167 {offsets = [7, 0], sizes = [1, 8], strides = [1, 1]} : vector<8x8xf32> to vector<1x8xf32>
    %slice3A_194 = vector.extract_strided_slice %concatenate3A_160 {offsets = [7, 0], sizes = [1, 8], strides = [1, 1]} : vector<8x8xf32> to vector<1x8xf32>
    %add3A_195 = arith.addf %slice3A_193, %slice3A_194 : vector<1x8xf32>
    %add3A_196 = arith.addf %add3A_118, %add3A_195 : vector<1x8xf32>
    %add3A_197 = arith.constant 2.550000e+02 : f32
    %add3A_198 = vector.broadcast %add3A_197 : f32 to vector<1x8xf32>
    %add3A_199 = arith.addf %add3A_196, %add3A_198 : vector<1x8xf32>
    %div3A_200 = arith.constant 2.560000e+02 : f32
    %div3A_201 = vector.broadcast %div3A_200 : f32 to vector<1x8xf32>
    %div3A_202 = arith.divf %add3A_199, %div3A_201 : vector<1x8xf32>
    %floor3A = math.floor %div3A_202 : vector<1x8xf32>
    %mul3A = arith.constant 2.560000e+02 : f32
    %mul3A_203 = vector.broadcast %mul3A : f32 to vector<1x8xf32>
    %mul3A_204 = arith.mulf %floor3A, %mul3A_203 : vector<1x8xf32>
    %iota3A_205 = tpu.iota {dimensions = array<i32: 0>} : vector<8x8xi32>
    %iota3A_206 = tpu.iota {dimensions = array<i32: 1>} : vector<8x8xi32>
    %lt3A_207 = arith.cmpi slt, %iota3A_205, %iota3A_206 : vector<8x8xi32>
    %convert_element_type3A_208 = arith.extui %lt3A_207 : vector<8x8xi1> to vector<8x8xi32>
    %convert_element_type3A_209 = arith.sitofp %convert_element_type3A_208 : vector<8x8xi32> to vector<8x8xf32>
    %dot_general3A_210 = arith.constant dense<0.000000e+00> : vector<1x8xf32>
    %dot_general3A_211 = tpu.matmul %mul3A_204, %convert_element_type3A_209, %dot_general3A_210 {dimension_numbers = #tpu.dot_dimension_numbers<[1], [0], [0], [1], [0, 0, 1, 1], [], []>, transpose_lhs_hint = false} : vector<1x8xf32>, vector<8x8xf32>, vector<1x8xf32> -> vector<1x8xf32>
    %add3A_212 = vector.broadcast %dot_general3A_211 : vector<1x8xf32> to vector<2048x8xf32>
    %add3A_213 = arith.addf %add3A_212, %concatenate3A_115 : vector<2048x8xf32>
    %sub3A_214 = arith.constant 1.000000e+00 : f32
    %sub3A_215 = vector.broadcast %sub3A_214 : f32 to vector<2048x8xf32>
    %sub3A_216 = arith.subf %add3A_213, %sub3A_215 : vector<2048x8xf32>
    %jit3A_217 = arith.constant 0.000000e+00 : f32
    %broadcast_in_dim3A_218 = vector.broadcast %jit3A_217 : f32 to vector<2048x8xf32>
    %select_n3A_219 = arith.select %eq3A_21, %sub3A_216, %broadcast_in_dim3A_218 : vector<2048x8xi1>, vector<2048x8xf32>
    %reduce_sum3A_220 = arith.constant dense<0.000000e+00> : vector<2048xf32>
    %reduce_sum3A_221 = vector.multi_reduction <add>, %select_n3A_219, %reduce_sum3A_220 [1] : vector<2048x8xf32> to vector<2048xf32>
    %broadcast_in_dim3A_222 = vector.shape_cast %reduce_sum3A_221 : vector<2048xf32> to vector<2048x1xf32>
    %add3A_223 = arith.addf %dot_general3A_211, %add3A_118 : vector<1x8xf32>
    %add3A_224 = vector.broadcast %add3A_223 : vector<1x8xf32> to vector<2048x8xf32>
    %add3A_225 = arith.addf %add3A_224, %concatenate3A_192 : vector<2048x8xf32>
    %sub3A_226 = arith.constant 1.000000e+00 : f32
    %sub3A_227 = vector.broadcast %sub3A_226 : f32 to vector<2048x8xf32>
    %sub3A_228 = arith.subf %add3A_225, %sub3A_227 : vector<2048x8xf32>
    %jit3A_229 = arith.constant 0.000000e+00 : f32
    %broadcast_in_dim3A_230 = vector.broadcast %jit3A_229 : f32 to vector<2048x8xf32>
    %select_n3A_231 = arith.select %eq3A_37, %sub3A_228, %broadcast_in_dim3A_230 : vector<2048x8xi1>, vector<2048x8xf32>
    %reduce_sum3A_232 = arith.constant dense<0.000000e+00> : vector<2048xf32>
    %reduce_sum3A_233 = vector.multi_reduction <add>, %select_n3A_231, %reduce_sum3A_232 [1] : vector<2048x8xf32> to vector<2048xf32>
    %broadcast_in_dim3A_234 = vector.shape_cast %reduce_sum3A_233 : vector<2048xf32> to vector<2048x1xf32>
    %concatenate3A_235 = tpu.concatenate %broadcast_in_dim3A_222, %broadcast_in_dim3A_234 in 0 : vector<2048x1xf32>, vector<2048x1xf32> -> vector<4096x1xf32>
    %convert_element_type3A_236 = arith.fptosi %concatenate3A_235 : vector<4096x1xf32> to vector<4096x1xi32>
    %swap3A_237 = arith.constant 0 : index
    %swap3A_238 = arith.constant 0 : index
    %swap3A_239 = vector.load %arg3[%swap3A_237, %swap3A_238] : memref<4096x1xi32, #tpu.memory_space<vmem>>, vector<4096x1xi32>
    tpu.vector_store %arg3[%swap3A_237, %swap3A_238], %convert_element_type3A_236 {strides = array<i32>} : memref<4096x1xi32, #tpu.memory_space<vmem>>, vector<4096x1xi32>,
    %iota3A_240 = tpu.iota {dimensions = array<i32: 0>} : vector<24x1xi32>
    %mul3A_241 = arith.constant 256 : i32
    %mul3A_242 = vector.broadcast %mul3A_241 : i32 to vector<24x1xi32>
    %mul3A_243 = arith.muli %iota3A_240, %mul3A_242 : vector<24x1xi32>
    %convert_element_type3A_244 = arith.sitofp %mul3A_243 : vector<24x1xi32> to vector<24x1xf32>
    %le3A = vector.broadcast %dot_general3A_211 : vector<1x8xf32> to vector<24x8xf32>
    %le3A_245 = vector.broadcast %convert_element_type3A_244 : vector<24x1xf32> to vector<24x8xf32>
    %le3A_246 = arith.cmpf ole, %le3A, %le3A_245 : vector<24x8xf32>
    %convert_element_type3A_247 = arith.extui %le3A_246 : vector<24x8xi1> to vector<24x8xi32>
    %convert_element_type3A_248 = arith.sitofp %convert_element_type3A_247 : vector<24x8xi32> to vector<24x8xf32>
    %reduce_sum3A_249 = arith.constant dense<0.000000e+00> : vector<24xf32>
    %reduce_sum3A_250 = vector.multi_reduction <add>, %convert_element_type3A_248, %reduce_sum3A_249 [1] : vector<24x8xf32> to vector<24xf32>
    %broadcast_in_dim3A_251 = vector.shape_cast %reduce_sum3A_250 : vector<24xf32> to vector<24x1xf32>
    %sub3A_252 = arith.constant 1.000000e+00 : f32
    %sub3A_253 = vector.broadcast %sub3A_252 : f32 to vector<24x1xf32>
    %sub3A_254 = arith.subf %broadcast_in_dim3A_251, %sub3A_253 : vector<24x1xf32>
    %convert_element_type3A_255 = arith.fptosi %sub3A_254 : vector<24x1xf32> to vector<24x1xi32>
    %swap3A_256 = arith.constant 0 : index
    %swap3A_257 = arith.constant 0 : index
    %swap3A_258 = vector.load %arg6[%swap3A_256, %swap3A_257] : memref<24x1xi32, #tpu.memory_space<vmem>>, vector<24x1xi32>
    tpu.vector_store %arg6[%swap3A_256, %swap3A_257], %convert_element_type3A_255 {strides = array<i32>} : memref<24x1xi32, #tpu.memory_space<vmem>>, vector<24x1xi32>,
    return
  }
  func.func @transform_0(%arg0: i32) -> (i32, i32) {
    %c0_i32 = arith.constant 0 : i32
    %c0_i32_0 = arith.constant 0 : i32
    %c0_i32_1 = arith.constant 0 : i32
    return %c0_i32, %c0_i32_0 : i32, i32
  }
  func.func @transform_1(%arg0: i32) -> (i32, i32) {
    %c0_i32 = arith.constant 0 : i32
    %c0_i32_0 = arith.constant 0 : i32
    %c0_i32_1 = arith.constant 0 : i32
    return %c0_i32, %c0_i32_0 : i32, i32
  }
  func.func @transform_2(%arg0: i32) -> (i32, i32) {
    %c0_i32 = arith.constant 0 : i32
    %c0_i32_0 = arith.constant 0 : i32
    %c0_i32_1 = arith.constant 0 : i32
    return %c0_i32, %c0_i32_0 : i32, i32
  }
  func.func @transform_3(%arg0: i32) -> (i32, i32) {
    %c0_i32 = arith.constant 0 : i32
    %c0_i32_0 = arith.constant 0 : i32
    %c0_i32_1 = arith.constant 0 : i32
    return %c0_i32, %c0_i32_0 : i32, i32
  }
  func.func @transform_4(%arg0: i32) -> (i32, i32) {
    %c0_i32 = arith.constant 0 : i32
    %c0_i32_0 = arith.constant 0 : i32
    %c0_i32_1 = arith.constant 0 : i32
    return %c0_i32, %c0_i32_0 : i32, i32
  }
  func.func @transform_5(%arg0: i32) -> (i32, i32) {
    %c0_i32 = arith.constant 0 : i32
    %c0_i32_0 = arith.constant 0 : i32
    %c0_i32_1 = arith.constant 0 : i32
    return %c0_i32, %c0_i32_0 : i32, i32
  }
  func.func @transform_6(%arg0: i32) -> (i32, i32) {
    %c0_i32 = arith.constant 0 : i32
    %c0_i32_0 = arith.constant 0 : i32
    %c0_i32_1 = arith.constant 0 : i32
    return %c0_i32, %c0_i32_0 : i32, i32
  }
}

module attributes {stable_mosaic.version = 14 : i64} {
  func.func @_grouped_body(%arg0: i32, %arg1: memref<24xi32, #tpu.memory_space<smem>>, %arg2: memref<256x1024xbf16, #tpu.memory_space<vmem>>, %arg3: memref<1x512x1024xf32, #tpu.memory_space<vmem>>, %arg4: memref<1x1024x512xf32, #tpu.memory_space<vmem>>, %arg5: memref<256x1024xbf16, #tpu.memory_space<vmem>>) attributes {dimension_semantics = [#tpu.dimension_semantics<arbitrary>], iteration_bounds = array<i64: 24>, scalar_prefetch = 1 : i64, scratch_operands = 0 : i64, tpu.core_type = #tpu.core_type<tc>, window_params = [{transform_indices = @transform_0, window_bounds = array<i64: 256, 1024>}, {transform_indices = @transform_1, window_bounds = array<i64: 1, 512, 1024>}, {transform_indices = @transform_2, window_bounds = array<i64: 1, 1024, 512>}, {transform_indices = @transform_3, window_bounds = array<i64: 256, 1024>}]} {
    %get3A = arith.constant 0 : index
    %get3A_0 = arith.constant 0 : index
    %get3A_1 = vector.load %arg2[%get3A, %get3A_0] : memref<256x1024xbf16, #tpu.memory_space<vmem>>, vector<256x1024xbf16>
    %get3A_2 = arith.constant 0 : index
    %get3A_3 = arith.constant 0 : index
    %get3A_4 = arith.constant 0 : index
    %get3A_5 = vector.load %arg3[%get3A_2, %get3A_3, %get3A_4] : memref<1x512x1024xf32, #tpu.memory_space<vmem>>, vector<1x512x1024xf32>
    %get3A_6 = vector.shape_cast %get3A_5 : vector<1x512x1024xf32> to vector<512x1024xf32>
    %convert_element_type3A = arith.truncf %get3A_6 : vector<512x1024xf32> to vector<512x1024xbf16>
    %dot_general3A = arith.constant dense<0.000000e+00> : vector<256x512xf32>
    %dot_general3A_7 = tpu.matmul %get3A_1, %convert_element_type3A, %dot_general3A {dimension_numbers = #tpu.dot_dimension_numbers<[1], [1], [0], [0], [0, 0, 1, 0], [], []>, transpose_lhs_hint = false} : vector<256x1024xbf16>, vector<512x1024xbf16>, vector<256x512xf32> -> vector<256x512xf32>
    %logistic3A = arith.negf %dot_general3A_7 : vector<256x512xf32>
    %logistic3A_8 = math.exp %logistic3A : vector<256x512xf32>
    %logistic3A_9 = arith.constant 1.000000e+00 : f32
    %logistic3A_10 = vector.broadcast %logistic3A_9 : f32 to vector<256x512xf32>
    %logistic3A_11 = arith.addf %logistic3A_10, %logistic3A_8 : vector<256x512xf32>
    %logistic3A_12 = arith.divf %logistic3A_10, %logistic3A_11 : vector<256x512xf32>
    %mul3A = arith.mulf %dot_general3A_7, %logistic3A_12 : vector<256x512xf32>
    %convert_element_type3A_13 = arith.truncf %mul3A : vector<256x512xf32> to vector<256x512xbf16>
    %get3A_14 = arith.constant 0 : index
    %get3A_15 = arith.constant 0 : index
    %get3A_16 = arith.constant 0 : index
    %get3A_17 = vector.load %arg4[%get3A_14, %get3A_15, %get3A_16] : memref<1x1024x512xf32, #tpu.memory_space<vmem>>, vector<1x1024x512xf32>
    %get3A_18 = vector.shape_cast %get3A_17 : vector<1x1024x512xf32> to vector<1024x512xf32>
    %convert_element_type3A_19 = arith.truncf %get3A_18 : vector<1024x512xf32> to vector<1024x512xbf16>
    %dot_general3A_20 = arith.constant dense<0.000000e+00> : vector<256x1024xf32>
    %dot_general3A_21 = tpu.matmul %convert_element_type3A_13, %convert_element_type3A_19, %dot_general3A_20 {dimension_numbers = #tpu.dot_dimension_numbers<[1], [1], [0], [0], [0, 0, 1, 0], [], []>, transpose_lhs_hint = false} : vector<256x512xbf16>, vector<1024x512xbf16>, vector<256x1024xf32> -> vector<256x1024xf32>
    %convert_element_type3A_22 = arith.truncf %dot_general3A_21 : vector<256x1024xf32> to vector<256x1024xbf16>
    %swap3A = arith.constant 0 : index
    %swap3A_23 = arith.constant 0 : index
    %swap3A_24 = vector.load %arg5[%swap3A, %swap3A_23] : memref<256x1024xbf16, #tpu.memory_space<vmem>>, vector<256x1024xbf16>
    tpu.vector_store %arg5[%swap3A, %swap3A_23], %convert_element_type3A_22 {strides = array<i32>} : memref<256x1024xbf16, #tpu.memory_space<vmem>>, vector<256x1024xbf16>,
    return
  }
  func.func @transform_0(%arg0: i32, %arg1: memref<24xi32, #tpu.memory_space<smem>>) -> (i32, i32) {
    %c0_i32 = arith.constant 0 : i32
    %c0_i32_0 = arith.constant 0 : i32
    return %arg0, %c0_i32 : i32, i32
  }
  func.func @transform_1(%arg0: i32, %arg1: memref<24xi32, #tpu.memory_space<smem>>) -> (i32, i32, i32) {
    %get3A = arith.index_cast %arg0 : i32 to index
    %get3A_0 = memref.load %arg1[%get3A] : memref<24xi32, #tpu.memory_space<smem>>
    %c0_i32 = arith.constant 0 : i32
    %c0_i32_1 = arith.constant 0 : i32
    %c0_i32_2 = arith.constant 0 : i32
    return %get3A_0, %c0_i32, %c0_i32_1 : i32, i32, i32
  }
  func.func @transform_2(%arg0: i32, %arg1: memref<24xi32, #tpu.memory_space<smem>>) -> (i32, i32, i32) {
    %get3A = arith.index_cast %arg0 : i32 to index
    %get3A_0 = memref.load %arg1[%get3A] : memref<24xi32, #tpu.memory_space<smem>>
    %c0_i32 = arith.constant 0 : i32
    %c0_i32_1 = arith.constant 0 : i32
    %c0_i32_2 = arith.constant 0 : i32
    return %get3A_0, %c0_i32, %c0_i32_1 : i32, i32, i32
  }
  func.func @transform_3(%arg0: i32, %arg1: memref<24xi32, #tpu.memory_space<smem>>) -> (i32, i32) {
    %c0_i32 = arith.constant 0 : i32
    %c0_i32_0 = arith.constant 0 : i32
    return %arg0, %c0_i32 : i32, i32
  }
}

module attributes {stable_mosaic.version = 14 : i64} {
  func.func @_shared_body(%arg0: i32, %arg1: memref<2048x1024xbf16, #tpu.memory_space<vmem>>, %arg2: memref<1024x1024xf32, #tpu.memory_space<vmem>>, %arg3: memref<1024x512xf32, #tpu.memory_space<vmem>>, %arg4: memref<2048x1024xf32, #tpu.memory_space<vmem>>) attributes {dimension_semantics = [#tpu.dimension_semantics<arbitrary>], iteration_bounds = array<i64: 1>, scalar_prefetch = 0 : i64, scratch_operands = 0 : i64, tpu.core_type = #tpu.core_type<tc>, window_params = [{pipeline_mode = #tpu.pipeline_mode<synchronous>, transform_indices = @transform_0, window_bounds = array<i64: 2048, 1024>}, {pipeline_mode = #tpu.pipeline_mode<synchronous>, transform_indices = @transform_1, window_bounds = array<i64: 1024, 1024>}, {pipeline_mode = #tpu.pipeline_mode<synchronous>, transform_indices = @transform_2, window_bounds = array<i64: 1024, 512>}, {pipeline_mode = #tpu.pipeline_mode<synchronous>, transform_indices = @transform_3, window_bounds = array<i64: 2048, 1024>}]} {
    %get3A = arith.constant 0 : index
    %get3A_0 = arith.constant 0 : index
    %get3A_1 = vector.load %arg1[%get3A, %get3A_0] : memref<2048x1024xbf16, #tpu.memory_space<vmem>>, vector<2048x1024xbf16>
    %get3A_2 = arith.constant 0 : index
    %get3A_3 = arith.constant 0 : index
    %get3A_4 = vector.load %arg2[%get3A_2, %get3A_3] : memref<1024x1024xf32, #tpu.memory_space<vmem>>, vector<1024x1024xf32>
    %convert_element_type3A = arith.truncf %get3A_4 : vector<1024x1024xf32> to vector<1024x1024xbf16>
    %dot_general3A = arith.constant dense<0.000000e+00> : vector<2048x1024xf32>
    %dot_general3A_5 = tpu.matmul %get3A_1, %convert_element_type3A, %dot_general3A {dimension_numbers = #tpu.dot_dimension_numbers<[1], [1], [0], [0], [0, 0, 1, 0], [], []>, transpose_lhs_hint = false} : vector<2048x1024xbf16>, vector<1024x1024xbf16>, vector<2048x1024xf32> -> vector<2048x1024xf32>
    %slice3A = vector.extract_strided_slice %dot_general3A_5 {offsets = [0, 0], sizes = [2048, 512], strides = [1, 1]} : vector<2048x1024xf32> to vector<2048x512xf32>
    %slice3A_6 = vector.extract_strided_slice %dot_general3A_5 {offsets = [0, 512], sizes = [2048, 512], strides = [1, 1]} : vector<2048x1024xf32> to vector<2048x512xf32>
    %logistic3A = arith.negf %slice3A : vector<2048x512xf32>
    %logistic3A_7 = math.exp %logistic3A : vector<2048x512xf32>
    %logistic3A_8 = arith.constant 1.000000e+00 : f32
    %logistic3A_9 = vector.broadcast %logistic3A_8 : f32 to vector<2048x512xf32>
    %logistic3A_10 = arith.addf %logistic3A_9, %logistic3A_7 : vector<2048x512xf32>
    %logistic3A_11 = arith.divf %logistic3A_9, %logistic3A_10 : vector<2048x512xf32>
    %mul3A = arith.mulf %slice3A, %logistic3A_11 : vector<2048x512xf32>
    %mul3A_12 = arith.mulf %mul3A, %slice3A_6 : vector<2048x512xf32>
    %convert_element_type3A_13 = arith.truncf %mul3A_12 : vector<2048x512xf32> to vector<2048x512xbf16>
    %get3A_14 = arith.constant 0 : index
    %get3A_15 = arith.constant 0 : index
    %get3A_16 = vector.load %arg3[%get3A_14, %get3A_15] : memref<1024x512xf32, #tpu.memory_space<vmem>>, vector<1024x512xf32>
    %convert_element_type3A_17 = arith.truncf %get3A_16 : vector<1024x512xf32> to vector<1024x512xbf16>
    %dot_general3A_18 = arith.constant dense<0.000000e+00> : vector<2048x1024xf32>
    %dot_general3A_19 = tpu.matmul %convert_element_type3A_13, %convert_element_type3A_17, %dot_general3A_18 {dimension_numbers = #tpu.dot_dimension_numbers<[1], [1], [0], [0], [0, 0, 1, 0], [], []>, transpose_lhs_hint = false} : vector<2048x512xbf16>, vector<1024x512xbf16>, vector<2048x1024xf32> -> vector<2048x1024xf32>
    %swap3A = arith.constant 0 : index
    %swap3A_20 = arith.constant 0 : index
    %swap3A_21 = vector.load %arg4[%swap3A, %swap3A_20] : memref<2048x1024xf32, #tpu.memory_space<vmem>>, vector<2048x1024xf32>
    tpu.vector_store %arg4[%swap3A, %swap3A_20], %dot_general3A_19 {strides = array<i32>} : memref<2048x1024xf32, #tpu.memory_space<vmem>>, vector<2048x1024xf32>,
    return
  }
  func.func @transform_0(%arg0: i32) -> (i32, i32) {
    %c0_i32 = arith.constant 0 : i32
    %c0_i32_0 = arith.constant 0 : i32
    %c0_i32_1 = arith.constant 0 : i32
    return %c0_i32, %c0_i32_0 : i32, i32
  }
  func.func @transform_1(%arg0: i32) -> (i32, i32) {
    %c0_i32 = arith.constant 0 : i32
    %c0_i32_0 = arith.constant 0 : i32
    %c0_i32_1 = arith.constant 0 : i32
    return %c0_i32, %c0_i32_0 : i32, i32
  }
  func.func @transform_2(%arg0: i32) -> (i32, i32) {
    %c0_i32 = arith.constant 0 : i32
    %c0_i32_0 = arith.constant 0 : i32
    %c0_i32_1 = arith.constant 0 : i32
    return %c0_i32, %c0_i32_0 : i32, i32
  }
  func.func @transform_3(%arg0: i32) -> (i32, i32) {
    %c0_i32 = arith.constant 0 : i32
    %c0_i32_0 = arith.constant 0 : i32
    %c0_i32_1 = arith.constant 0 : i32
    return %c0_i32, %c0_i32_0 : i32, i32
  }
}

module attributes {stable_mosaic.version = 14 : i64} {
  func.func @_combine_body(%arg0: i32, %arg1: memref<2048x1024xf32, #tpu.memory_space<vmem>>, %arg2: memref<2048x1024xbf16, #tpu.memory_space<vmem>>, %arg3: memref<2048x1024xbf16, #tpu.memory_space<vmem>>, %arg4: memref<2048x1xf32, #tpu.memory_space<vmem>>, %arg5: memref<2048x1xf32, #tpu.memory_space<vmem>>, %arg6: memref<2048x1024xf32, #tpu.memory_space<vmem>>) attributes {dimension_semantics = [#tpu.dimension_semantics<arbitrary>], iteration_bounds = array<i64: 1>, scalar_prefetch = 0 : i64, scratch_operands = 0 : i64, tpu.core_type = #tpu.core_type<tc>, window_params = [{pipeline_mode = #tpu.pipeline_mode<synchronous>, transform_indices = @transform_0, window_bounds = array<i64: 2048, 1024>}, {transform_indices = @transform_1, window_bounds = array<i64: 2048, 1024>}, {transform_indices = @transform_2, window_bounds = array<i64: 2048, 1024>}, {pipeline_mode = #tpu.pipeline_mode<synchronous>, transform_indices = @transform_3, window_bounds = array<i64: 2048, 1>}, {pipeline_mode = #tpu.pipeline_mode<synchronous>, transform_indices = @transform_4, window_bounds = array<i64: 2048, 1>}, {pipeline_mode = #tpu.pipeline_mode<synchronous>, transform_indices = @transform_5, window_bounds = array<i64: 2048, 1024>}]} {
    %get3A = arith.constant 0 : index
    %get3A_0 = arith.constant 0 : index
    %get3A_1 = vector.load %arg1[%get3A, %get3A_0] : memref<2048x1024xf32, #tpu.memory_space<vmem>>, vector<2048x1024xf32>
    %get3A_2 = arith.constant 0 : index
    %get3A_3 = arith.constant 0 : index
    %get3A_4 = vector.load %arg4[%get3A_2, %get3A_3] : memref<2048x1xf32, #tpu.memory_space<vmem>>, vector<2048x1xf32>
    %get3A_5 = arith.constant 0 : index
    %get3A_6 = arith.constant 0 : index
    %get3A_7 = vector.load %arg2[%get3A_5, %get3A_6] : memref<2048x1024xbf16, #tpu.memory_space<vmem>>, vector<2048x1024xbf16>
    %convert_element_type3A = arith.extf %get3A_7 : vector<2048x1024xbf16> to vector<2048x1024xf32>
    %mul3A = vector.broadcast %get3A_4 : vector<2048x1xf32> to vector<2048x1024xf32>
    %mul3A_8 = arith.mulf %mul3A, %convert_element_type3A : vector<2048x1024xf32>
    %add3A = arith.addf %get3A_1, %mul3A_8 : vector<2048x1024xf32>
    %get3A_9 = arith.constant 0 : index
    %get3A_10 = arith.constant 0 : index
    %get3A_11 = vector.load %arg5[%get3A_9, %get3A_10] : memref<2048x1xf32, #tpu.memory_space<vmem>>, vector<2048x1xf32>
    %get3A_12 = arith.constant 0 : index
    %get3A_13 = arith.constant 0 : index
    %get3A_14 = vector.load %arg3[%get3A_12, %get3A_13] : memref<2048x1024xbf16, #tpu.memory_space<vmem>>, vector<2048x1024xbf16>
    %convert_element_type3A_15 = arith.extf %get3A_14 : vector<2048x1024xbf16> to vector<2048x1024xf32>
    %mul3A_16 = vector.broadcast %get3A_11 : vector<2048x1xf32> to vector<2048x1024xf32>
    %mul3A_17 = arith.mulf %mul3A_16, %convert_element_type3A_15 : vector<2048x1024xf32>
    %add3A_18 = arith.addf %add3A, %mul3A_17 : vector<2048x1024xf32>
    %swap3A = arith.constant 0 : index
    %swap3A_19 = arith.constant 0 : index
    %swap3A_20 = vector.load %arg6[%swap3A, %swap3A_19] : memref<2048x1024xf32, #tpu.memory_space<vmem>>, vector<2048x1024xf32>
    tpu.vector_store %arg6[%swap3A, %swap3A_19], %add3A_18 {strides = array<i32>} : memref<2048x1024xf32, #tpu.memory_space<vmem>>, vector<2048x1024xf32>,
    return
  }
  func.func @transform_0(%arg0: i32) -> (i32, i32) {
    %c0_i32 = arith.constant 0 : i32
    %c0_i32_0 = arith.constant 0 : i32
    %c0_i32_1 = arith.constant 0 : i32
    return %c0_i32, %c0_i32_0 : i32, i32
  }
  func.func @transform_1(%arg0: i32) -> (i32, i32) {
    %c0_i32 = arith.constant 0 : i32
    %c0_i32_0 = arith.constant 0 : i32
    %c0_i32_1 = arith.constant 0 : i32
    return %c0_i32, %c0_i32_0 : i32, i32
  }
  func.func @transform_2(%arg0: i32) -> (i32, i32) {
    %c1_i32 = arith.constant 1 : i32
    %c0_i32 = arith.constant 0 : i32
    %c0_i32_0 = arith.constant 0 : i32
    return %c1_i32, %c0_i32 : i32, i32
  }
  func.func @transform_3(%arg0: i32) -> (i32, i32) {
    %c0_i32 = arith.constant 0 : i32
    %c0_i32_0 = arith.constant 0 : i32
    %c0_i32_1 = arith.constant 0 : i32
    return %c0_i32, %c0_i32_0 : i32, i32
  }
  func.func @transform_4(%arg0: i32) -> (i32, i32) {
    %c0_i32 = arith.constant 0 : i32
    %c0_i32_0 = arith.constant 0 : i32
    %c0_i32_1 = arith.constant 0 : i32
    return %c0_i32, %c0_i32_0 : i32, i32
  }
  func.func @transform_5(%arg0: i32) -> (i32, i32) {
    %c0_i32 = arith.constant 0 : i32
    %c0_i32_0 = arith.constant 0 : i32
    %c0_i32_1 = arith.constant 0 : i32
    return %c0_i32, %c0_i32_0 : i32, i32
  }
}

</mosaic_0001>

<sc_bundles>
// kernel: kernel.11.cloned.1.call-start
scs
__scs_entry_jumppad:
0x0: {  	(pc) =	sbr.rel $0x88, $3  }
0x1: {  	(tag) =	ssettag $0x0;
	lr =	simm.s32 $0x1  }
0x2: {  	[smem:$0x3F9B] =	sst lr;
	_ =	strace $0xD0000000  }
0x3: {  	_ = 	snop  }
0x4: {  	_ = 	snop  }
0x5: {  	_ = 	snop  }
0x6: {  	_ = 	snop  }
0x7: {  	_ = 	snop  }
__scs_overlays_trampoline_lowered:
0x8: {  	[smem:$0x3FAA] =	sst s0  }
0x9: {  	[smem:$0x3FAB] =	sst s1  }
0xa: {  	[smem:$0x3FAC] =	sst s2  }
0xb: {  	[smem:$0x3FAD] =	sst s3  }
0xc: {  	[smem:$0x3FAE] =	sst s4  }
0xd: {  	[smem:$0x3FAF] =	sst s5  }
0xe: {  	[smem:$0x3FB0] =	sst s6  }
0xf: {  	[smem:$0x3FB1] =	sst s7  }
0x10: {  	[smem:$0x3FB2] =	sst s8  }
0x11: {  	[smem:$0x3FB3] =	sst s9;
	s0 =	simm.s32 @!p0 $0x0  }
0x12: {  	s1 =	sld [smem:$0x3F99];
	s0 =	simm.s32 @p0 $0x1  }
0x13: {  	[smem:$0x3FB4] =	sst s0;
	s0 =	simm.s32 @!p1 $0x0  }
0x14: {  	s2 =	sld [smem:$0x3F98];
	s0 =	simm.s32 @p1 $0x1  }
0x15: {  	[smem:$0x3FB5] =	sst s0;
	s0 =	simm.s32 @!p2 $0x0  }
0x16: {  	s3 =	sld [smem:$0x3FDB];
	s0 =	simm.s32 @p2 $0x1  }
0x17: {  	s4 =	simm.s32 $0x1BF5;
	[smem:$0x3FB7] =	sst s0  }
0x18: {  	s0 =	sld [smem:$0x3F9A];
	_ =	swait.ge [sflag:s4], $0x0  }
0x19: {  	s7 =	sld [smem:$0x3F9B]  }
0x1a: {  	s8 =	sadd.s32 $0xFFFFE003, lr  }
0x1b: {  	s9 =	sadd.s32 $0xFFFFFEF7, lr;
	s5 =	simm.s32 $0xFFFFFFFF;
	p2 =	slt.u32 s8, $0xFFFFF086  }
0x1c: {  	p1 =	slt.u32 s9, $0xF7A;
	s5 =	simm.s32 @!p2 $0x0  }
0x1d: {  	s5 =	simm.s32 @p1 $0x1;
	p0 =	seq.s32 s7, s2  }
0x1e: {  	s7 =	smul.u32 @!p0 $0xF7A, s2;
	p2 =	seq.s32 @!p0 s5, $0x0  }
0x1f: {  	s9 =	smul.u32 $0xF7A, s1;
	s8 =	simm.s32 @!p0 $0x1BF5;
	p2 =	por !p2, p0  }
0x20: {  	[sflag:s8] =	ssyncset.s32 @!p0 $0xFFFFF086;
	s6 =	sadd.s32 @!p0 s3, s7;
	s7 =	simm.s32 @!p0 $0x108  }
0x21: {  	s3 =	sadd.s32 s3, s9;
	s6 =	sadd.s32 @!p0 $0x88, s6;
	s7 =	simm.s32 @p2 $0x1082  }
0x22: {  	[simem:s7], [sflag:s8] =	dma.local @!p0 [hbm:s6], $0xF7A  }
0x23: {  	s9 =	sor.u32 $0xD0000000, s2;
	s6 =	simm.s32 $0x108;
	_ =	swait.ge @!p0 [sflag:s8], $0x0  }
0x24: {  	s3 =	sadd.s32 $0x88, s3;
	s6 =	simm.s32 @!p1 $0x1082;
	[sflag:s4] =	ssyncset.s32 $0xFFFFF086  }
0x25: {  	[simem:s6], [sflag:s4] =	dma.local [hbm:s3], $0xF7A  }
0x26: {  	[smem:$0x3F9B] =	sst s1;
	(tag) =	ssettag s2;
	_ =	strace s9  }
0x27: {  	s1 =	sld [smem:$0x3FAB]  }
0x28: {  	s2 =	sld [smem:$0x3FAC]  }
0x29: {  	s4 =	sld [smem:$0x3FAE]  }
0x2a: {  	p0 =	seq.s32 s5, $0x0;
	s5 =	sld [smem:$0x3FAF]  }
0x2b: {  	s6 =	sld [smem:$0x3FB0]  }
0x2c: {  	s7 =	sld [smem:$0x3FB1]  }
0x2d: {  	s3 =	simm.s32 $0x108;
	s8 =	sld [smem:$0x3FB2]  }
0x2e: {  	s3 =	simm.s32 @!p0 $0x1082;
	s9 =	sld [smem:$0x3FB3]  }
0x2f: {  	lr =	sadd.s32 s0, s3;
	s0 =	sld [smem:$0x3FAA]  }
0x30: {  	s3 =	sld [smem:$0x3FAD]  }
0x31: {  	[smem:$0x3FB6] =	sst s10  }
0x32: {  	s10 =	sld [smem:$0x3FB4];
	_ =	sdelay $0x3  }
0x33: {  	p0 =	seq.s32 s10, $0x1;
	s10 =	sld [smem:$0x3FB6];
	_ =	sdelay $0x3  }
0x34: {  	[smem:$0x3FB6] =	sst s10  }
0x35: {  	s10 =	sld [smem:$0x3FB5];
	_ =	sdelay $0x3  }
0x36: {  	p1 =	seq.s32 s10, $0x1;
	s10 =	sld [smem:$0x3FB6];
	_ =	sdelay $0x3  }
0x37: {  	[smem:$0x3FB6] =	sst s10  }
0x38: {  	s10 =	sld [smem:$0x3FB7]  }
0x39: {  	_ = 	snop;
	(pc) =	sbr.ind lr, $3  }
0x3a: {  	_ = 	snop  }
0x3b: {  	_ = 	snop  }
0x3c: {  	p2 =	seq.s32 s10, $0x1;
	s10 =	sld [smem:$0x3FB6]  }
0x3d: {  	_ =	shalt  }
0x3e: {  	_ =	shalt  }
0x3f: {  	_ =	shalt  }
0x40: {  	_ =	shalt  }
0x41: {  	_ =	shalt  }
0x42: {  	_ =	shalt  }
0x43: {  	_ =	shalt  }
0x44: {  	_ =	shalt  }
0x45: {  	_ =	shalt  }
0x46: {  	_ =	shalt  }
0x47: {  	_ =	shalt  }
0x48: {  	_ =	shalt  }
0x49: {  	_ =	shalt  }
0x4a: {  	_ =	shalt  }
0x4b: {  	_ =	shalt  }
0x4c: {  	_ =	shalt  }
0x4d: {  	_ =	shalt  }
0x4e: {  	_ =	shalt  }
0x4f: {  	_ =	shalt  }
0x50: {  	_ =	shalt  }
0x51: {  	_ =	shalt  }
0x52: {  	_ =	shalt  }
0x53: {  	_ =	shalt  }
0x54: {  	_ =	shalt  }
0x55: {  	_ =	shalt  }
0x56: {  	_ =	shalt  }
0x57: {  	_ =	shalt  }
0x58: {  	_ =	shalt  }
0x59: {  	_ =	shalt  }
0x5a: {  	_ =	shalt  }
0x5b: {  	_ =	shalt  }
0x5c: {  	_ =	shalt  }
0x5d: {  	_ =	shalt  }
0x5e: {  	_ =	shalt  }
0x5f: {  	_ =	shalt  }
0x60: {  	_ =	shalt  }
0x61: {  	_ =	shalt  }
0x62: {  	_ =	shalt  }
0x63: {  	_ =	shalt  }
0x64: {  	_ =	shalt  }
0x65: {  	_ =	shalt  }
0x66: {  	_ =	shalt  }
0x67: {  	_ =	shalt  }
0x68: {  	_ =	shalt  }
0x69: {  	_ =	shalt  }
0x6a: {  	_ =	shalt  }
0x6b: {  	_ =	shalt  }
0x6c: {  	_ =	shalt  }
0x6d: {  	_ =	shalt  }
0x6e: {  	_ =	shalt  }
0x6f: {  	_ =	shalt  }
0x70: {  	_ =	shalt  }
0x71: {  	_ =	shalt  }
0x72: {  	_ =	shalt  }
0x73: {  	_ =	shalt  }
0x74: {  	_ =	shalt  }
0x75: {  	_ =	shalt  }
0x76: {  	_ =	shalt  }
0x77: {  	_ =	shalt  }
0x78: {  	_ =	shalt  }
0x79: {  	_ =	shalt  }
0x7a: {  	_ =	shalt  }
0x7b: {  	_ =	shalt  }
0x7c: {  	_ =	shalt  }
0x7d: {  	_ =	shalt  }
0x7e: {  	_ =	shalt  }
0x7f: {  	_ =	shalt  }
0x80: {  	_ =	shalt  }
0x81: {  	_ =	shalt  }
0x82: {  	_ =	shalt  }
0x83: {  	_ =	shalt  }
0x84: {  	_ =	shalt  }
0x85: {  	_ =	shalt  }
0x86: {  	_ =	shalt  }
0x87: {  	_ =	shalt  }
.Lfunc_end0:
.L_simem_size_0:
called_computation.1_lowered:
.L_overlay_start_0:
0x88: {  	s2 =	sld [smem:$0x3FD9]  }
0x89: {  	s3 =	sld [smem:$0x3FFE];
	_ =	sdelay $0x1  }
0x8a: {  	s1 =	srdreg.scid  }
0x8b: {  	s0 =	sand.u32 $0x1, s1  }
0x8c: {  	s17 =	sshll.u32 s0, $0xA;
	s2 =	sadd.s32 s3, s2  }
0x8d: {  	s2 =	sadd.s32 s2, s17  }
0x8e: {  	[smem:$0x3FC2] =	sst s2  }
0x8f: {  	_ = 	snop  }
0x90: {  	s2 =	sld [smem:$0x3FD0];
	(tm) =	ssettm $0x1  }
0x91: {  	s18 =	sld [smem:$0x3FFB];
	_ =	sdelay $0x3  }
0x92: {  	_ =	strace s18  }
0x93: {  	s3 =	sld [smem:$0x3FFC];
	_ =	sdelay $0x3  }
0x94: {  	_ =	strace s3  }
0x95: {  	s3 =	sld [smem:$0x3FFD];
	_ =	sdelay $0x3  }
0x96: {  	_ =	strace s3  }
0x97: {  	_ =	strace $0x8FFFFFFF  }
0x98: {  	s19 =	sld [smem:$0x3FDB];
	_ =	sdelay $0x1  }
0x99: {  	s4 =	simm.s32 $_scs_section_size  }
0x9a: {  	s5 =	simm.s32 $_size__tile_overlayer_lowered;
	s6 =	simm.s32 $_tile_overlayer_lowered  }
0x9b: {  	s22 =	simm.s32 $0x1BFF;
	s21 =	sshll.u32 s6, $0x1;
	s3 =	sadd.s32 s4, s19  }
0x9c: {  	s7 =	simm.s32 $0x0;
	s20 =	sshll.u32 s5, $0x1;
	s5 =	sadd.s32 s21, s3  }
0x9d: {  	[timem:s7], [sflag:s22] =	dma.local [hbm:s5], s20  }
0x9e: {  	_ =	swait.ge [sflag:s22], s20  }
0x9f: {  	s4 =	ssub.s32 $0x0, s20;
	[sflag:s22] =	ssyncset.done $0x0  }
0xa0: {  	[sflag:s22] =	ssyncadd.s32 s4;
	_ =	sdelay $0x1  }
0xa1: {  	s23 =	simm.s32 $0x1B8B  }
0xa2: {  	_ =	swait.ge [sflag:s23], $0x1  }
0xa3: {  	[sflag:s23] =	ssyncset.done $0x0  }
0xa4: {  	s25 =	simm.s32 $0x1B8E;
	s24 =	sld [smem:$0x3FFE];
	[sflag:s23] =	ssyncadd.s32 $0xFFFFFFFF  }
0xa5: {  	s26 =	simm.s32 $execute0_lowered;
	[smem:$0x3FD2] =	sst s25  }
0xa6: {  	s5 =	sshll.u32 s26, $0x1;
	_ =	strace $0x80000049;
	[dreg:$0x1] =	wrdreg $0xFFFFFFFF  }
0xa7: {  	s28 =	simm.s32 $_size_execute0_lowered;
	s3 =	sadd.s32 s3, s5;
	[dreg:$0x0] =	wrdreg $0x0  }
0xa8: {  	s5 =	sshll.u32 s28, $0x1;
	[dreg:$0x2] =	wrdreg s3  }
0xa9: {  	[dreg:$0x3] =	wrdreg s5  }
0xaa: {  	[dreg:$0x4] =	wrdreg $0xC0  }
0xab: {  	_ =	task [dreg:s7], $0x5FFFF  }
0xac: {  	[dreg:$0x1] =	wrdreg $0xFFFFFFFF  }
0xad: {  	[dreg:$0x0] =	wrdreg $0x60  }
0xae: {  	[dreg:$0x2] =	wrdreg s24  }
0xaf: {  	[dreg:$0x3] =	wrdreg s2  }
0xb0: {  	[dreg:$0x4] =	wrdreg $0x9  }
0xb1: {  	_ =	task.clear_ibuf [dreg:s7], $0x5FFFF;
	_ =	strace $0x90000049  }
0xb2: {  	s29 =	simm.s32 $0x9;
	_ =	strace $0x8000004B  }
0xb3: {  	_ =	swait.ge [sflag:s29], $0x1  }
0xb4: {  	[sflag:s29] =	ssyncadd.s32 $0xFFFFFFFF  }
0xb5: {  	_ =	strace $0x9000004B  }
0xb6: {  	_ =	sfence  }
0xb7: {  	s30 =	sld [smem:$0x0];
	_ =	sdelay $0x2  }
0xb8: {  	s31 =	sshll.u32 s1, $0xD;
	s1 =	sshrl.u32 s1, $0x2  }
0xb9: {  	s3 =	sand.u32 $0x4000, s31;
	s1 =	sadd.s32 s1, s30  }
0xba: {  	s0 =	sor.u32 s3, s0;
	s1 =	sshll.u32 s1, $0x11  }
0xbb: {  	s0 =	sor.u32 s1, s0  }
0xbc: {  	s0 =	sadd.s32 $0x8F2B, s0  }
0xbd: {  	[sflag:s0] =	ssyncadd.remote.s32 $0x1  }
0xbe: {  	_ =	sfence.sel $0xFFFF  }
0xbf: {  	[dreg:$0x0] =	wrdreg $0xFFFFFFFF;
	(pc) =	sbr.abs _section_cstart, $3  }
0xc0: {  	[dreg:$0x1] =	wrdreg $0xFFFFFFFF  }
0xc1: {  	_ =	task.clear_ibuf [dreg:s7], $0x2FFFF;
	_ =	strace $0x9FFFFFFF  }
0xc2: {  	(tm) =	ssettm $0x7FFFFFFF  }
0xc3: {  	_ =	shalt  }
tec
execute0_lowered:
.L_overlay_start_1:
0x0: {  	(tag) =	ssettag $0x1  }
0x1: {  	s5 =	rddreg [dreg:$0x0]  }
0x2: {  	s8 =	rddreg [dreg:$0x1]  }
0x3: {  	s0 =	rddreg [dreg:$0x2];
	s3 =	srdreg.scid  }
0x4: {  	s2 =	simm.s32 $0x0;
	s1 =	stileid.u32;
	s12 =	simm.s32 $0x880  }
0x5: {  	s13 =	simm.s32 $0x1080;
	s14 =	simm.s32 $0x1880;
	s15 =	simm.s32 $0x2080  }
0x6: {  	s16 =	simm.s32 $0x2880;
	s17 =	simm.s32 $0x3080;
	s18 =	simm.s32 $0x3880  }
0x7: {  	s19 =	simm.s32 $0x4080;
	s20 =	simm.s32 $0x4880;
	s21 =	simm.s32 $0x5080  }
0x8: {  	s22 =	simm.s32 $0x5880;
	s23 =	simm.s32 $0x6080;
	s24 =	simm.s32 $0x6880  }
0x9: {  	s25 =	simm.s32 $0x7080;
	s28 =	simm.s32 $0x1;
	s3 =	sand.u32 $0x1, s3  }
0xa: {  	[smem:$0x7FF] =	sst s2;
	s4 =	sshll.u32 s1, $0x8;
	s9 =	sadd.s32 $0x30800, s5  }
0xb: {  	s6 =	sshll.u32 s3, $0x7;
	_ =	strace $0x8000004A;
	s7 =	ssub.s32 $0x2, s3  }
0xc: {  	s3 =	sadd.s32 $0x30A00, s5;
	s6 =	sor.u32 s6, s4;
	s26 =	sshrl.u32 s7, $0x1  }
0xd: {  	s5 =	sadd.s32 $0x30B00, s5;
	s10 =	sshrl.u32 s6, $0x3;
	s11 =	ssub.s32 s7, s26  }
0xe: {  	s29 =	sshll.u32 s6, $0x6;
	s30 =	sor.u32 $0x40, s6;
	s26 =	simm.s32 $0x7880  }
0xf: {  	v2 =	vlaneseq.u32;
	s4 =	sadd.s32 s9, s10;
	s31 =	sshrl.u32 s30, $0x3;
	s10 =	sshll.u32 s30, $0x6  }
0x10: {  	vm0 =	vmmov $0xffff;
	v1 =	vshrl.u32 v2, $0x3;
	s6 =	sadd.s32 s8, s29;
	s7 =	sadd.s32 s9, s31;
	s8 =	sadd.s32 s8, s10  }
0x11: {  	v0 =	vand.u32 $0x7, v2;
	v2 =	vor.u32 $0x8, v2;
	v1 =	vmul.u32 $0x8, v1;
	s9 =	smax.u32 s11, $0x1;
	s10 =	simm.s32 $0x2;
	s11 =	simm.s32 $0x80  }
.LBB2_1:
0x12: {  	[tilespmem:s2], [sflag:$0x2] =	stream.linear.gather [hbm4b:s4+s2], $0x40, $0x38;
	[tilespmem:$0x8080] =	vst v63  }
0x13: {  	_ =	swait.ge [sflag:s10], $0x40  }
0x14: {  	[sflag:s10] =	ssyncset.done $0x0  }
0x15: {  	[sflag:s10] =	ssyncadd.s32 $0xFFFFFFC0  }
0x16: {  	v3 =	vld [tilespmem:$0x0];
	_ =	sdelay $0x4  }
0x17: {  	v4 =	vshll.u32 v3, $0x2  }
0x18: {  	v3 =	vand.u32 $0x7, v3;
	v4 =	vand.u32 $0xFFFFFFE0, v4  }
0x19: {  	v3 =	vor.u32 v3, v4  }
0x1a: {  	v4 =	vperm.xlane v3, v0;
	_ =	sdelay $0x1  }
0x1b: {  	v4 =	vadd.s32 v1, v4;
	_ =	sdelay $0x1  }
0x1c: {  	v3 =	vperm.xlane v3, v2;
	_ =	sdelay $0x1  }
0x1d: {  	v3 =	vadd.s32 v1, v3  }
0x1e: {  	[tilespmem:s11], [sflag:$0x1] =	stream.indirect_vreg.gather [hbm4b:s3+s2], $0x80, v4, vm0, $0xb8;
	[tilespmem:$0x8080] =	vst v63  }
0x1f: {  	_ = 	snop  }
0x20: {  	[tilespmem:s12], [sflag:$0x1] =	stream.indirect_vreg.gather [hbm4b:s5+s2], $0x80, v4, vm0, $0xb8;
	[tilespmem:$0x8080] =	vst v63  }
0x21: {  	_ = 	snop  }
0x22: {  	[tilespmem:s13], [sflag:$0x1] =	stream.indirect_vreg.gather [hbm4b:s3+s2], $0x80, v3, vm0, $0xb8;
	[tilespmem:$0x8080] =	vst v63  }
0x23: {  	_ = 	snop  }
0x24: {  	[tilespmem:s14], [sflag:$0x1] =	stream.indirect_vreg.gather [hbm4b:s5+s2], $0x80, v3, vm0, $0xb8;
	[tilespmem:$0x8080] =	vst v63  }
0x25: {  	v3 =	vld [tilespmem:$0x10];
	_ =	sdelay $0x4  }
0x26: {  	v57 =	vshll.u32 v3, $0x2  }
0x27: {  	v3 =	vand.u32 $0x7, v3;
	v4 =	vand.u32 $0xFFFFFFE0, v57  }
0x28: {  	v3 =	vor.u32 v3, v4  }
0x29: {  	v4 =	vperm.xlane v3, v0;
	_ =	sdelay $0x1  }
0x2a: {  	v4 =	vadd.s32 v1, v4;
	_ =	sdelay $0x1  }
0x2b: {  	v3 =	vperm.xlane v3, v2;
	_ =	sdelay $0x1  }
0x2c: {  	v3 =	vadd.s32 v1, v3  }
0x2d: {  	[tilespmem:s15], [sflag:$0x1] =	stream.indirect_vreg.gather [hbm4b:s3+s2], $0x80, v4, vm0, $0xb8;
	[tilespmem:$0x8080] =	vst v63  }
0x2e: {  	_ = 	snop  }
0x2f: {  	[tilespmem:s16], [sflag:$0x1] =	stream.indirect_vreg.gather [hbm4b:s5+s2], $0x80, v4, vm0, $0xb8;
	[tilespmem:$0x8080] =	vst v63  }
0x30: {  	_ = 	snop  }
0x31: {  	[tilespmem:s17], [sflag:$0x1] =	stream.indirect_vreg.gather [hbm4b:s3+s2], $0x80, v3, vm0, $0xb8;
	[tilespmem:$0x8080] =	vst v63  }
0x32: {  	_ = 	snop  }
0x33: {  	[tilespmem:s18], [sflag:$0x1] =	stream.indirect_vreg.gather [hbm4b:s5+s2], $0x80, v3, vm0, $0xb8;
	[tilespmem:$0x8080] =	vst v63  }
0x34: {  	v3 =	vld [tilespmem:$0x20];
	_ =	sdelay $0x4  }
0x35: {  	v58 =	vshll.u32 v3, $0x2  }
0x36: {  	v3 =	vand.u32 $0x7, v3;
	v4 =	vand.u32 $0xFFFFFFE0, v58  }
0x37: {  	v3 =	vor.u32 v3, v4  }
0x38: {  	v4 =	vperm.xlane v3, v0;
	_ =	sdelay $0x1  }
0x39: {  	v4 =	vadd.s32 v1, v4;
	_ =	sdelay $0x1  }
0x3a: {  	v3 =	vperm.xlane v3, v2;
	_ =	sdelay $0x1  }
0x3b: {  	v3 =	vadd.s32 v1, v3  }
0x3c: {  	[tilespmem:s19], [sflag:$0x1] =	stream.indirect_vreg.gather [hbm4b:s3+s2], $0x80, v4, vm0, $0xb8;
	[tilespmem:$0x8080] =	vst v63  }
0x3d: {  	_ = 	snop  }
0x3e: {  	[tilespmem:s20], [sflag:$0x1] =	stream.indirect_vreg.gather [hbm4b:s5+s2], $0x80, v4, vm0, $0xb8;
	[tilespmem:$0x8080] =	vst v63  }
0x3f: {  	_ = 	snop  }
0x40: {  	[tilespmem:s21], [sflag:$0x1] =	stream.indirect_vreg.gather [hbm4b:s3+s2], $0x80, v3, vm0, $0xb8;
	[tilespmem:$0x8080] =	vst v63  }
0x41: {  	_ = 	snop  }
0x42: {  	[tilespmem:s22], [sflag:$0x1] =	stream.indirect_vreg.gather [hbm4b:s5+s2], $0x80, v3, vm0, $0xb8;
	[tilespmem:$0x8080] =	vst v63  }
0x43: {  	v3 =	vld [tilespmem:$0x30];
	_ =	sdelay $0x4  }
0x44: {  	v59 =	vshll.u32 v3, $0x2  }
0x45: {  	v3 =	vand.u32 $0x7, v3;
	v4 =	vand.u32 $0xFFFFFFE0, v59  }
0x46: {  	v3 =	vor.u32 v3, v4  }
0x47: {  	v4 =	vperm.xlane v3, v0;
	_ =	sdelay $0x1  }
0x48: {  	v4 =	vadd.s32 v1, v4;
	_ =	sdelay $0x1  }
0x49: {  	v3 =	vperm.xlane v3, v2;
	_ =	sdelay $0x1  }
0x4a: {  	v3 =	vadd.s32 v1, v3  }
0x4b: {  	[tilespmem:s23], [sflag:$0x1] =	stream.indirect_vreg.gather [hbm4b:s3+s2], $0x80, v4, vm0, $0xb8;
	[tilespmem:$0x8080] =	vst v63  }
0x4c: {  	_ = 	snop  }
0x4d: {  	[tilespmem:s24], [sflag:$0x1] =	stream.indirect_vreg.gather [hbm4b:s5+s2], $0x80, v4, vm0, $0xb8;
	[tilespmem:$0x8080] =	vst v63  }
0x4e: {  	_ = 	snop  }
0x4f: {  	[tilespmem:s25], [sflag:$0x1] =	stream.indirect_vreg.gather [hbm4b:s3+s2], $0x80, v3, vm0, $0xb8;
	[tilespmem:$0x8080] =	vst v63  }
0x50: {  	_ = 	snop  }
0x51: {  	[tilespmem:s26], [sflag:$0x1] =	stream.indirect_vreg.gather [hbm4b:s5+s2], $0x80, v3, vm0, $0xb8;
	[tilespmem:$0x8080] =	vst v63  }
0x52: {  	_ =	swait.ge [sflag:s28], $0x8000  }
0x53: {  	[sflag:s28] =	ssyncset.done $0x0  }
0x54: {  	[sflag:s28] =	ssyncadd.s32 $0xFFFF8000  }
0x55: {  	[hbm4b:s6+s2] =	stream.linear.scatter [tilespmem:s11], [sflag:$0x2], $0x8000, $0x38;
	[tilespmem:$0x8080] =	vst v63  }
0x56: {  	_ =	swait.ge [sflag:s10], $0x8000  }
0x57: {  	[sflag:s10] =	ssyncset.done $0x0  }
0x58: {  	[sflag:s10] =	ssyncadd.s32 $0xFFFF8000  }
0x59: {  	[tilespmem:s2], [sflag:$0x2] =	stream.linear.gather [hbm4b:s7+s2], $0x40, $0x38;
	[tilespmem:$0x8080] =	vst v63  }
0x5a: {  	_ =	swait.ge [sflag:s10], $0x40  }
0x5b: {  	[sflag:s10] =	ssyncset.done $0x0  }
0x5c: {  	[sflag:s10] =	ssyncadd.s32 $0xFFFFFFC0  }
0x5d: {  	v3 =	vld [tilespmem:$0x0];
	_ =	sdelay $0x4  }
0x5e: {  	v60 =	vshll.u32 v3, $0x2  }
0x5f: {  	v3 =	vand.u32 $0x7, v3;
	v4 =	vand.u32 $0xFFFFFFE0, v60  }
0x60: {  	v3 =	vor.u32 v3, v4  }
0x61: {  	v4 =	vperm.xlane v3, v0;
	_ =	sdelay $0x1  }
0x62: {  	v4 =	vadd.s32 v1, v4;
	_ =	sdelay $0x1  }
0x63: {  	v3 =	vperm.xlane v3, v2;
	_ =	sdelay $0x1  }
0x64: {  	v3 =	vadd.s32 v1, v3  }
0x65: {  	[tilespmem:s11], [sflag:$0x1] =	stream.indirect_vreg.gather [hbm4b:s3+s2], $0x80, v4, vm0, $0xb8;
	[tilespmem:$0x8080] =	vst v63  }
0x66: {  	_ = 	snop  }
0x67: {  	[tilespmem:s12], [sflag:$0x1] =	stream.indirect_vreg.gather [hbm4b:s5+s2], $0x80, v4, vm0, $0xb8;
	[tilespmem:$0x8080] =	vst v63  }
0x68: {  	_ = 	snop  }
0x69: {  	[tilespmem:s13], [sflag:$0x1] =	stream.indirect_vreg.gather [hbm4b:s3+s2], $0x80, v3, vm0, $0xb8;
	[tilespmem:$0x8080] =	vst v63  }
0x6a: {  	_ = 	snop  }
0x6b: {  	[tilespmem:s14], [sflag:$0x1] =	stream.indirect_vreg.gather [hbm4b:s5+s2], $0x80, v3, vm0, $0xb8;
	[tilespmem:$0x8080] =	vst v63  }
0x6c: {  	v3 =	vld [tilespmem:$0x10];
	_ =	sdelay $0x4  }
0x6d: {  	v61 =	vshll.u32 v3, $0x2  }
0x6e: {  	v3 =	vand.u32 $0x7, v3;
	v4 =	vand.u32 $0xFFFFFFE0, v61  }
0x6f: {  	v3 =	vor.u32 v3, v4  }
0x70: {  	v4 =	vperm.xlane v3, v0;
	_ =	sdelay $0x1  }
0x71: {  	v4 =	vadd.s32 v1, v4;
	_ =	sdelay $0x1  }
0x72: {  	v3 =	vperm.xlane v3, v2;
	_ =	sdelay $0x1  }
0x73: {  	v3 =	vadd.s32 v1, v3  }
0x74: {  	[tilespmem:s15], [sflag:$0x1] =	stream.indirect_vreg.gather [hbm4b:s3+s2], $0x80, v4, vm0, $0xb8;
	[tilespmem:$0x8080] =	vst v63  }
0x75: {  	_ = 	snop  }
0x76: {  	[tilespmem:s16], [sflag:$0x1] =	stream.indirect_vreg.gather [hbm4b:s5+s2], $0x80, v4, vm0, $0xb8;
	[tilespmem:$0x8080] =	vst v63  }
0x77: {  	_ = 	snop  }
0x78: {  	[tilespmem:s17], [sflag:$0x1] =	stream.indirect_vreg.gather [hbm4b:s3+s2], $0x80, v3, vm0, $0xb8;
	[tilespmem:$0x8080] =	vst v63  }
0x79: {  	_ = 	snop  }
0x7a: {  	[tilespmem:s18], [sflag:$0x1] =	stream.indirect_vreg.gather [hbm4b:s5+s2], $0x80, v3, vm0, $0xb8;
	[tilespmem:$0x8080] =	vst v63  }
0x7b: {  	v3 =	vld [tilespmem:$0x20];
	_ =	sdelay $0x4  }
0x7c: {  	v62 =	vshll.u32 v3, $0x2  }
0x7d: {  	v3 =	vand.u32 $0x7, v3;
	v4 =	vand.u32 $0xFFFFFFE0, v62  }
0x7e: {  	v3 =	vor.u32 v3, v4  }
0x7f: {  	v4 =	vperm.xlane v3, v0;
	_ =	sdelay $0x1  }
0x80: {  	v4 =	vadd.s32 v1, v4;
	_ =	sdelay $0x1  }
0x81: {  	v3 =	vperm.xlane v3, v2;
	_ =	sdelay $0x1  }
0x82: {  	v3 =	vadd.s32 v1, v3  }
0x83: {  	[tilespmem:s19], [sflag:$0x1] =	stream.indirect_vreg.gather [hbm4b:s3+s2], $0x80, v4, vm0, $0xb8;
	[tilespmem:$0x8080] =	vst v63  }
0x84: {  	_ = 	snop  }
0x85: {  	[tilespmem:s20], [sflag:$0x1] =	stream.indirect_vreg.gather [hbm4b:s5+s2], $0x80, v4, vm0, $0xb8;
	[tilespmem:$0x8080] =	vst v63  }
0x86: {  	_ = 	snop  }
0x87: {  	[tilespmem:s21], [sflag:$0x1] =	stream.indirect_vreg.gather [hbm4b:s3+s2], $0x80, v3, vm0, $0xb8;
	[tilespmem:$0x8080] =	vst v63  }
0x88: {  	_ = 	snop  }
0x89: {  	[tilespmem:s22], [sflag:$0x1] =	stream.indirect_vreg.gather [hbm4b:s5+s2], $0x80, v3, vm0, $0xb8;
	[tilespmem:$0x8080] =	vst v63  }
0x8a: {  	v3 =	vld [tilespmem:$0x30];
	_ =	sdelay $0x4  }
0x8b: {  	v63 =	vshll.u32 v3, $0x2  }
0x8c: {  	v3 =	vand.u32 $0x7, v3;
	v4 =	vand.u32 $0xFFFFFFE0, v63  }
0x8d: {  	v3 =	vor.u32 v3, v4  }
0x8e: {  	v4 =	vperm.xlane v3, v0;
	_ =	sdelay $0x1  }
0x8f: {  	v4 =	vadd.s32 v1, v4;
	_ =	sdelay $0x1  }
0x90: {  	v3 =	vperm.xlane v3, v2;
	_ =	sdelay $0x1  }
0x91: {  	v3 =	vadd.s32 v1, v3  }
0x92: {  	[tilespmem:s23], [sflag:$0x1] =	stream.indirect_vreg.gather [hbm4b:s3+s2], $0x80, v4, vm0, $0xb8;
	[tilespmem:$0x8080] =	vst v63  }
0x93: {  	_ = 	snop  }
0x94: {  	[tilespmem:s24], [sflag:$0x1] =	stream.indirect_vreg.gather [hbm4b:s5+s2], $0x80, v4, vm0, $0xb8;
	[tilespmem:$0x8080] =	vst v63  }
0x95: {  	_ = 	snop  }
0x96: {  	[tilespmem:s25], [sflag:$0x1] =	stream.indirect_vreg.gather [hbm4b:s3+s2], $0x80, v3, vm0, $0xb8;
	[tilespmem:$0x8080] =	vst v63  }
0x97: {  	_ = 	snop  }
0x98: {  	[tilespmem:s26], [sflag:$0x1] =	stream.indirect_vreg.gather [hbm4b:s5+s2], $0x80, v3, vm0, $0xb8;
	[tilespmem:$0x8080] =	vst v63  }
0x99: {  	_ =	swait.ge [sflag:s28], $0x8000  }
0x9a: {  	p0 =	sne.s32 s9, $0x1;
	[sflag:s28] =	ssyncset.done $0x0  }
.Ltmp0:
0x9b: {  	[sflag:s28] =	ssyncadd.s32 $0xFFFF8000;
	(pc) =	sbr.rel @p0 .LBB2_1-.Ltmp0, $4  }
0x9c: {  	[hbm4b:s8+s2] =	stream.linear.scatter [tilespmem:s11], [sflag:$0x2], $0x8000, $0x38;
	[tilespmem:$0x8080] =	vst v63  }
0x9d: {  	_ =	swait.ge [sflag:s10], $0x8000  }
0x9e: {  	[sflag:s10] =	ssyncset.done $0x0  }
0x9f: {  	s9 =	sadd.s32 $0xFFFFFFFF, s9;
	[sflag:s10] =	ssyncadd.s32 $0xFFFF8000  }
0xa0: {  	_ =	sfence.sel $0x180000  }
0xa1: {  	[bflag:$0x0] =	sbarrier.arrive $0xFFFF  }
0xa2: {  	p0 =	sne.s32 s1, $0x0;
	_ =	strace $0x9000004A  }
0xa3: {  	s0 =	sadd.s32 @!p0 $0x100000, s0;
	[bflag:$0x2] =	sbarrier.arrive $0xFFFF  }
0xa4: {  	[sflag:s0] =	ssyncadd.tile.s32 @!p0 $0x1;
	_ =	shalt  }
.Lfunc_end2:
_tile_overlayer_lowered:
.L_overlay_start_2:
0xa5: {  	(tag) =	ssettag $0x2  }
0xa6: {  	s0 =	rddreg [dreg:$0x0];
	s2 =	stileid.u32  }
0xa7: {  	s1 =	rddreg [dreg:$0x1];
	p0 =	sne.s32 s2, $0x0  }
0xa8: {  	s3 =	rddreg [dreg:$0x2];
	[bflag:$0x3] =	sbarrier.arrive $0xFFFF;
	s2 =	simm.s32 @!p0 $0x1C02  }
0xa9: {  	[timem:s3], [sflag:s2] =	dma.local @!p0 [hbm:s0], s1  }
0xaa: {  	s0 =	simm.s32 @!p0 $0x2  }
0xab: {  	_ =	swait.ge @!p0 [sflag:s0], s1  }
0xac: {  	s1 =	ssub.s32 @!p0 $0x0, s1;
	[sflag:s0] =	ssyncset.done @!p0 $0x0  }
0xad: {  	[sflag:s0] =	ssyncadd.s32 @!p0 s1  }
0xae: {  	[bflag:$0x3] =	sbarrier.arrive $0xFFFF  }
0xaf: {  	_ =	shalt  }

// kernel: kernel.8.cloned.1.call-start
scs
__scs_entry_jumppad:
0x0: {  	(pc) =	sbr.rel $0x88, $3  }
0x1: {  	(tag) =	ssettag $0x0;
	lr =	simm.s32 $0x1  }
0x2: {  	[smem:$0x3F9B] =	sst lr;
	_ =	strace $0xD0000000  }
0x3: {  	_ = 	snop  }
0x4: {  	_ = 	snop  }
0x5: {  	_ = 	snop  }
0x6: {  	_ = 	snop  }
0x7: {  	_ = 	snop  }
__scs_overlays_trampoline_lowered:
0x8: {  	[smem:$0x3FAA] =	sst s0  }
0x9: {  	[smem:$0x3FAB] =	sst s1  }
0xa: {  	[smem:$0x3FAC] =	sst s2  }
0xb: {  	[smem:$0x3FAD] =	sst s3  }
0xc: {  	[smem:$0x3FAE] =	sst s4  }
0xd: {  	[smem:$0x3FAF] =	sst s5  }
0xe: {  	[smem:$0x3FB0] =	sst s6  }
0xf: {  	[smem:$0x3FB1] =	sst s7  }
0x10: {  	[smem:$0x3FB2] =	sst s8  }
0x11: {  	[smem:$0x3FB3] =	sst s9;
	s0 =	simm.s32 @!p0 $0x0  }
0x12: {  	s1 =	sld [smem:$0x3F99];
	s0 =	simm.s32 @p0 $0x1  }
0x13: {  	[smem:$0x3FB4] =	sst s0;
	s0 =	simm.s32 @!p1 $0x0  }
0x14: {  	s2 =	sld [smem:$0x3F98];
	s0 =	simm.s32 @p1 $0x1  }
0x15: {  	[smem:$0x3FB5] =	sst s0;
	s0 =	simm.s32 @!p2 $0x0  }
0x16: {  	s3 =	sld [smem:$0x3FDB];
	s0 =	simm.s32 @p2 $0x1  }
0x17: {  	s4 =	simm.s32 $0x1BF5;
	[smem:$0x3FB7] =	sst s0  }
0x18: {  	s0 =	sld [smem:$0x3F9A];
	_ =	swait.ge [sflag:s4], $0x0  }
0x19: {  	s7 =	sld [smem:$0x3F9B]  }
0x1a: {  	s8 =	sadd.s32 $0xFFFFE003, lr  }
0x1b: {  	s9 =	sadd.s32 $0xFFFFFEF7, lr;
	s5 =	simm.s32 $0xFFFFFFFF;
	p2 =	slt.u32 s8, $0xFFFFF086  }
0x1c: {  	p1 =	slt.u32 s9, $0xF7A;
	s5 =	simm.s32 @!p2 $0x0  }
0x1d: {  	s5 =	simm.s32 @p1 $0x1;
	p0 =	seq.s32 s7, s2  }
0x1e: {  	s7 =	smul.u32 @!p0 $0xF7A, s2;
	p2 =	seq.s32 @!p0 s5, $0x0  }
0x1f: {  	s9 =	smul.u32 $0xF7A, s1;
	s8 =	simm.s32 @!p0 $0x1BF5;
	p2 =	por !p2, p0  }
0x20: {  	[sflag:s8] =	ssyncset.s32 @!p0 $0xFFFFF086;
	s6 =	sadd.s32 @!p0 s3, s7;
	s7 =	simm.s32 @!p0 $0x108  }
0x21: {  	s3 =	sadd.s32 s3, s9;
	s6 =	sadd.s32 @!p0 $0x88, s6;
	s7 =	simm.s32 @p2 $0x1082  }
0x22: {  	[simem:s7], [sflag:s8] =	dma.local @!p0 [hbm:s6], $0xF7A  }
0x23: {  	s9 =	sor.u32 $0xD0000000, s2;
	s6 =	simm.s32 $0x108;
	_ =	swait.ge @!p0 [sflag:s8], $0x0  }
0x24: {  	s3 =	sadd.s32 $0x88, s3;
	s6 =	simm.s32 @!p1 $0x1082;
	[sflag:s4] =	ssyncset.s32 $0xFFFFF086  }
0x25: {  	[simem:s6], [sflag:s4] =	dma.local [hbm:s3], $0xF7A  }
0x26: {  	[smem:$0x3F9B] =	sst s1;
	(tag) =	ssettag s2;
	_ =	strace s9  }
0x27: {  	s1 =	sld [smem:$0x3FAB]  }
0x28: {  	s2 =	sld [smem:$0x3FAC]  }
0x29: {  	s4 =	sld [smem:$0x3FAE]  }
0x2a: {  	p0 =	seq.s32 s5, $0x0;
	s5 =	sld [smem:$0x3FAF]  }
0x2b: {  	s6 =	sld [smem:$0x3FB0]  }
0x2c: {  	s7 =	sld [smem:$0x3FB1]  }
0x2d: {  	s3 =	simm.s32 $0x108;
	s8 =	sld [smem:$0x3FB2]  }
0x2e: {  	s3 =	simm.s32 @!p0 $0x1082;
	s9 =	sld [smem:$0x3FB3]  }
0x2f: {  	lr =	sadd.s32 s0, s3;
	s0 =	sld [smem:$0x3FAA]  }
0x30: {  	s3 =	sld [smem:$0x3FAD]  }
0x31: {  	[smem:$0x3FB6] =	sst s10  }
0x32: {  	s10 =	sld [smem:$0x3FB4];
	_ =	sdelay $0x3  }
0x33: {  	p0 =	seq.s32 s10, $0x1;
	s10 =	sld [smem:$0x3FB6];
	_ =	sdelay $0x3  }
0x34: {  	[smem:$0x3FB6] =	sst s10  }
0x35: {  	s10 =	sld [smem:$0x3FB5];
	_ =	sdelay $0x3  }
0x36: {  	p1 =	seq.s32 s10, $0x1;
	s10 =	sld [smem:$0x3FB6];
	_ =	sdelay $0x3  }
0x37: {  	[smem:$0x3FB6] =	sst s10  }
0x38: {  	s10 =	sld [smem:$0x3FB7]  }
0x39: {  	_ = 	snop;
	(pc) =	sbr.ind lr, $3  }
0x3a: {  	_ = 	snop  }
0x3b: {  	_ = 	snop  }
0x3c: {  	p2 =	seq.s32 s10, $0x1;
	s10 =	sld [smem:$0x3FB6]  }
0x3d: {  	_ =	shalt  }
0x3e: {  	_ =	shalt  }
0x3f: {  	_ =	shalt  }
0x40: {  	_ =	shalt  }
0x41: {  	_ =	shalt  }
0x42: {  	_ =	shalt  }
0x43: {  	_ =	shalt  }
0x44: {  	_ =	shalt  }
0x45: {  	_ =	shalt  }
0x46: {  	_ =	shalt  }
0x47: {  	_ =	shalt  }
0x48: {  	_ =	shalt  }
0x49: {  	_ =	shalt  }
0x4a: {  	_ =	shalt  }
0x4b: {  	_ =	shalt  }
0x4c: {  	_ =	shalt  }
0x4d: {  	_ =	shalt  }
0x4e: {  	_ =	shalt  }
0x4f: {  	_ =	shalt  }
0x50: {  	_ =	shalt  }
0x51: {  	_ =	shalt  }
0x52: {  	_ =	shalt  }
0x53: {  	_ =	shalt  }
0x54: {  	_ =	shalt  }
0x55: {  	_ =	shalt  }
0x56: {  	_ =	shalt  }
0x57: {  	_ =	shalt  }
0x58: {  	_ =	shalt  }
0x59: {  	_ =	shalt  }
0x5a: {  	_ =	shalt  }
0x5b: {  	_ =	shalt  }
0x5c: {  	_ =	shalt  }
0x5d: {  	_ =	shalt  }
0x5e: {  	_ =	shalt  }
0x5f: {  	_ =	shalt  }
0x60: {  	_ =	shalt  }
0x61: {  	_ =	shalt  }
0x62: {  	_ =	shalt  }
0x63: {  	_ =	shalt  }
0x64: {  	_ =	shalt  }
0x65: {  	_ =	shalt  }
0x66: {  	_ =	shalt  }
0x67: {  	_ =	shalt  }
0x68: {  	_ =	shalt  }
0x69: {  	_ =	shalt  }
0x6a: {  	_ =	shalt  }
0x6b: {  	_ =	shalt  }
0x6c: {  	_ =	shalt  }
0x6d: {  	_ =	shalt  }
0x6e: {  	_ =	shalt  }
0x6f: {  	_ =	shalt  }
0x70: {  	_ =	shalt  }
0x71: {  	_ =	shalt  }
0x72: {  	_ =	shalt  }
0x73: {  	_ =	shalt  }
0x74: {  	_ =	shalt  }
0x75: {  	_ =	shalt  }
0x76: {  	_ =	shalt  }
0x77: {  	_ =	shalt  }
0x78: {  	_ =	shalt  }
0x79: {  	_ =	shalt  }
0x7a: {  	_ =	shalt  }
0x7b: {  	_ =	shalt  }
0x7c: {  	_ =	shalt  }
0x7d: {  	_ =	shalt  }
0x7e: {  	_ =	shalt  }
0x7f: {  	_ =	shalt  }
0x80: {  	_ =	shalt  }
0x81: {  	_ =	shalt  }
0x82: {  	_ =	shalt  }
0x83: {  	_ =	shalt  }
0x84: {  	_ =	shalt  }
0x85: {  	_ =	shalt  }
0x86: {  	_ =	shalt  }
0x87: {  	_ =	shalt  }
.Lfunc_end0:
.L_simem_size_0:
called_computation_lowered:
.L_overlay_start_0:
0x88: {  	s2 =	sld [smem:$0x3FD9]  }
0x89: {  	s3 =	sld [smem:$0x3FFE];
	_ =	sdelay $0x1  }
0x8a: {  	s1 =	srdreg.scid  }
0x8b: {  	s0 =	sand.u32 $0x1, s1  }
0x8c: {  	s17 =	sshll.u32 s0, $0xA;
	s2 =	sadd.s32 s3, s2  }
0x8d: {  	s2 =	sadd.s32 s2, s17  }
0x8e: {  	[smem:$0x3FC2] =	sst s2  }
0x8f: {  	_ = 	snop  }
0x90: {  	s2 =	sld [smem:$0x3FD0];
	(tm) =	ssettm $0x1  }
0x91: {  	s18 =	sld [smem:$0x3FFB];
	_ =	sdelay $0x3  }
0x92: {  	_ =	strace s18  }
0x93: {  	s3 =	sld [smem:$0x3FFC];
	_ =	sdelay $0x3  }
0x94: {  	_ =	strace s3  }
0x95: {  	s3 =	sld [smem:$0x3FFD];
	_ =	sdelay $0x3  }
0x96: {  	_ =	strace s3  }
0x97: {  	_ =	strace $0x8FFFFFFF  }
0x98: {  	s19 =	sld [smem:$0x3FDB];
	_ =	sdelay $0x1  }
0x99: {  	s4 =	simm.s32 $_scs_section_size  }
0x9a: {  	s5 =	simm.s32 $_size__tile_overlayer_lowered;
	s6 =	simm.s32 $_tile_overlayer_lowered  }
0x9b: {  	s22 =	simm.s32 $0x1BFF;
	s21 =	sshll.u32 s6, $0x1;
	s3 =	sadd.s32 s4, s19  }
0x9c: {  	s7 =	simm.s32 $0x0;
	s20 =	sshll.u32 s5, $0x1;
	s5 =	sadd.s32 s21, s3  }
0x9d: {  	[timem:s7], [sflag:s22] =	dma.local [hbm:s5], s20  }
0x9e: {  	_ =	swait.ge [sflag:s22], s20  }
0x9f: {  	s4 =	ssub.s32 $0x0, s20;
	[sflag:s22] =	ssyncset.done $0x0  }
0xa0: {  	[sflag:s22] =	ssyncadd.s32 s4;
	_ =	sdelay $0x1  }
0xa1: {  	s23 =	simm.s32 $0x1B8B  }
0xa2: {  	_ =	swait.ge [sflag:s23], $0x1  }
0xa3: {  	[sflag:s23] =	ssyncset.done $0x0  }
0xa4: {  	s25 =	simm.s32 $0x1B8E;
	s24 =	sld [smem:$0x3FFE];
	[sflag:s23] =	ssyncadd.s32 $0xFFFFFFFF  }
0xa5: {  	s26 =	simm.s32 $execute0_lowered;
	[smem:$0x3FD2] =	sst s25  }
0xa6: {  	s5 =	sshll.u32 s26, $0x1;
	_ =	strace $0x80000046;
	[dreg:$0x1] =	wrdreg $0xFFFFFFFF  }
0xa7: {  	s28 =	simm.s32 $_size_execute0_lowered;
	s3 =	sadd.s32 s3, s5;
	[dreg:$0x0] =	wrdreg $0x0  }
0xa8: {  	s5 =	sshll.u32 s28, $0x1;
	[dreg:$0x2] =	wrdreg s3  }
0xa9: {  	[dreg:$0x3] =	wrdreg s5  }
0xaa: {  	[dreg:$0x4] =	wrdreg $0xC0  }
0xab: {  	_ =	task [dreg:s7], $0x5FFFF  }
0xac: {  	[dreg:$0x1] =	wrdreg $0xFFFFFFFF  }
0xad: {  	[dreg:$0x0] =	wrdreg $0x60  }
0xae: {  	[dreg:$0x2] =	wrdreg s2  }
0xaf: {  	[dreg:$0x3] =	wrdreg s24  }
0xb0: {  	[dreg:$0x4] =	wrdreg $0x9  }
0xb1: {  	_ =	task.clear_ibuf [dreg:s7], $0x5FFFF;
	_ =	strace $0x90000046  }
0xb2: {  	s29 =	simm.s32 $0x9;
	_ =	strace $0x80000048  }
0xb3: {  	_ =	swait.ge [sflag:s29], $0x1  }
0xb4: {  	[sflag:s29] =	ssyncadd.s32 $0xFFFFFFFF  }
0xb5: {  	_ =	strace $0x90000048  }
0xb6: {  	_ =	sfence  }
0xb7: {  	s30 =	sld [smem:$0x0];
	_ =	sdelay $0x2  }
0xb8: {  	s31 =	sshll.u32 s1, $0xD;
	s1 =	sshrl.u32 s1, $0x2  }
0xb9: {  	s3 =	sand.u32 $0x4000, s31;
	s1 =	sadd.s32 s1, s30  }
0xba: {  	s0 =	sor.u32 s3, s0;
	s1 =	sshll.u32 s1, $0x11  }
0xbb: {  	s0 =	sor.u32 s1, s0  }
0xbc: {  	s0 =	sadd.s32 $0x8F2B, s0  }
0xbd: {  	[sflag:s0] =	ssyncadd.remote.s32 $0x1  }
0xbe: {  	_ =	sfence.sel $0xFFFF  }
0xbf: {  	[dreg:$0x0] =	wrdreg $0xFFFFFFFF;
	(pc) =	sbr.abs _section_cstart, $3  }
0xc0: {  	[dreg:$0x1] =	wrdreg $0xFFFFFFFF  }
0xc1: {  	_ =	task.clear_ibuf [dreg:s7], $0x2FFFF;
	_ =	strace $0x9FFFFFFF  }
0xc2: {  	(tm) =	ssettm $0x7FFFFFFF  }
0xc3: {  	_ =	shalt  }
tec
execute0_lowered:
.L_overlay_start_1:
0x0: {  	(tag) =	ssettag $0x1  }
0x1: {  	s7 =	rddreg [dreg:$0x0]  }
0x2: {  	s6 =	rddreg [dreg:$0x1]  }
0x3: {  	s2 =	srdreg.scid;
	s0 =	rddreg [dreg:$0x2]  }
0x4: {  	s1 =	stileid.u32;
	s13 =	simm.s32 $0x1080;
	s14 =	simm.s32 $0x1880  }
0x5: {  	s15 =	simm.s32 $0x2080;
	s16 =	simm.s32 $0x2880;
	s17 =	simm.s32 $0x3080  }
0x6: {  	s18 =	simm.s32 $0x3880;
	s19 =	simm.s32 $0x4080;
	s20 =	simm.s32 $0x4880  }
0x7: {  	s21 =	simm.s32 $0x5080;
	s22 =	simm.s32 $0x5880;
	s23 =	simm.s32 $0x6080  }
0x8: {  	s24 =	simm.s32 $0x6880;
	s25 =	simm.s32 $0x7080;
	s26 =	simm.s32 $0x7880  }
0x9: {  	s28 =	simm.s32 $0x1;
	s3 =	sand.u32 $0x1, s2;
	s2 =	simm.s32 $0x0  }
0xa: {  	s4 =	sshll.u32 s1, $0x8;
	p0 =	slt.u32 s1, $0x8;
	s5 =	sshll.u32 s3, $0x7  }
0xb: {  	s10 =	sadd.s32 $0x30800, s6;
	[smem:$0x7FF] =	sst s2;
	s4 =	sor.u32 s5, s4  }
0xc: {  	s8 =	ssub.s32 $0x2, s3;
	s3 =	sadd.s32 $0x30A00, s6;
	s5 =	sshll.u32 s4, $0x9  }
0xd: {  	s6 =	sadd.s32 $0x30B00, s6;
	s11 =	sshrl.u32 s8, $0x1;
	s9 =	sadd.s32 $0xFFF00000, s5  }
0xe: {  	_ =	strace $0x80000047;
	s11 =	ssub.s32 s8, s11;
	s9 =	smov.u32 @p0 s5  }
0xf: {  	s12 =	sadd.s32 $0xFFFFF840, s4;
	s5 =	sshrl.u32 s9, $0x3;
	s9 =	sor.u32 $0x40, s4  }
0x10: {  	s30 =	sshrl.u32 s4, $0x3;
	s4 =	sadd.s32 s7, s5;
	s12 =	smov.u32 @p0 s9  }
0x11: {  	v2 =	vlaneseq.u32;
	s5 =	sadd.s32 s10, s30;
	s9 =	sshrl.u32 s9, $0x3;
	s31 =	sshll.u32 s12, $0x6  }
0x12: {  	vm0 =	vmmov $0xffff;
	v1 =	vshrl.u32 v2, $0x3;
	s8 =	sadd.s32 s10, s9;
	s9 =	smax.u32 s11, $0x1;
	s10 =	simm.s32 $0x80  }
0x13: {  	v0 =	vand.u32 $0x7, v2;
	v2 =	vor.u32 $0x8, v2;
	v1 =	vmul.u32 $0x8, v1;
	s11 =	simm.s32 $0x2;
	s12 =	simm.s32 $0x880;
	s7 =	sadd.s32 s7, s31  }
.LBB2_1:
0x14: {  	[tilespmem:s10], [sflag:$0x2] =	stream.linear.gather [hbm4b:s4+s2], $0x8000, $0x38;
	[tilespmem:$0x8080] =	vst v63  }
0x15: {  	_ =	swait.ge [sflag:s11], $0x8000  }
0x16: {  	[sflag:s11] =	ssyncset.done $0x0  }
0x17: {  	[sflag:s11] =	ssyncadd.s32 $0xFFFF8000  }
0x18: {  	[tilespmem:s2], [sflag:$0x2] =	stream.linear.gather [hbm4b:s5+s2], $0x40, $0x38;
	[tilespmem:$0x8080] =	vst v63  }
0x19: {  	_ =	swait.ge [sflag:s11], $0x40  }
0x1a: {  	[sflag:s11] =	ssyncset.done $0x0  }
0x1b: {  	[sflag:s11] =	ssyncadd.s32 $0xFFFFFFC0  }
0x1c: {  	v3 =	vld [tilespmem:$0x0];
	_ =	sdelay $0x4  }
0x1d: {  	v4 =	vshll.u32 v3, $0x2  }
0x1e: {  	v3 =	vand.u32 $0x7, v3;
	v4 =	vand.u32 $0xFFFFFFE0, v4  }
0x1f: {  	v3 =	vor.u32 v3, v4  }
0x20: {  	v4 =	vperm.xlane v3, v0;
	_ =	sdelay $0x1  }
0x21: {  	v4 =	vadd.s32 v1, v4;
	_ =	sdelay $0x1  }
0x22: {  	v3 =	vperm.xlane v3, v2;
	_ =	sdelay $0x1  }
0x23: {  	v3 =	vadd.s32 v1, v3  }
0x24: {  	[hbm4b:s3+s2] =	stream.indirect_vreg.scatter [tilespmem:s10], [sflag:$0x1], $0x80, v4, vm0, $0xb8;
	[tilespmem:$0x8080] =	vst v63  }
0x25: {  	_ = 	snop  }
0x26: {  	[hbm4b:s6+s2] =	stream.indirect_vreg.scatter [tilespmem:s12], [sflag:$0x1], $0x80, v4, vm0, $0xb8;
	[tilespmem:$0x8080] =	vst v63  }
0x27: {  	_ = 	snop  }
0x28: {  	[hbm4b:s3+s2] =	stream.indirect_vreg.scatter [tilespmem:s13], [sflag:$0x1], $0x80, v3, vm0, $0xb8;
	[tilespmem:$0x8080] =	vst v63  }
0x29: {  	_ = 	snop  }
0x2a: {  	[hbm4b:s6+s2] =	stream.indirect_vreg.scatter [tilespmem:s14], [sflag:$0x1], $0x80, v3, vm0, $0xb8;
	[tilespmem:$0x8080] =	vst v63  }
0x2b: {  	v3 =	vld [tilespmem:$0x10];
	_ =	sdelay $0x4  }
0x2c: {  	v57 =	vshll.u32 v3, $0x2  }
0x2d: {  	v3 =	vand.u32 $0x7, v3;
	v4 =	vand.u32 $0xFFFFFFE0, v57  }
0x2e: {  	v3 =	vor.u32 v3, v4  }
0x2f: {  	v4 =	vperm.xlane v3, v0;
	_ =	sdelay $0x1  }
0x30: {  	v4 =	vadd.s32 v1, v4;
	_ =	sdelay $0x1  }
0x31: {  	v3 =	vperm.xlane v3, v2;
	_ =	sdelay $0x1  }
0x32: {  	v3 =	vadd.s32 v1, v3  }
0x33: {  	[hbm4b:s3+s2] =	stream.indirect_vreg.scatter [tilespmem:s15], [sflag:$0x1], $0x80, v4, vm0, $0xb8;
	[tilespmem:$0x8080] =	vst v63  }
0x34: {  	_ = 	snop  }
0x35: {  	[hbm4b:s6+s2] =	stream.indirect_vreg.scatter [tilespmem:s16], [sflag:$0x1], $0x80, v4, vm0, $0xb8;
	[tilespmem:$0x8080] =	vst v63  }
0x36: {  	_ = 	snop  }
0x37: {  	[hbm4b:s3+s2] =	stream.indirect_vreg.scatter [tilespmem:s17], [sflag:$0x1], $0x80, v3, vm0, $0xb8;
	[tilespmem:$0x8080] =	vst v63  }
0x38: {  	_ = 	snop  }
0x39: {  	[hbm4b:s6+s2] =	stream.indirect_vreg.scatter [tilespmem:s18], [sflag:$0x1], $0x80, v3, vm0, $0xb8;
	[tilespmem:$0x8080] =	vst v63  }
0x3a: {  	v3 =	vld [tilespmem:$0x20];
	_ =	sdelay $0x4  }
0x3b: {  	v58 =	vshll.u32 v3, $0x2  }
0x3c: {  	v3 =	vand.u32 $0x7, v3;
	v4 =	vand.u32 $0xFFFFFFE0, v58  }
0x3d: {  	v3 =	vor.u32 v3, v4  }
0x3e: {  	v4 =	vperm.xlane v3, v0;
	_ =	sdelay $0x1  }
0x3f: {  	v4 =	vadd.s32 v1, v4;
	_ =	sdelay $0x1  }
0x40: {  	v3 =	vperm.xlane v3, v2;
	_ =	sdelay $0x1  }
0x41: {  	v3 =	vadd.s32 v1, v3  }
0x42: {  	[hbm4b:s3+s2] =	stream.indirect_vreg.scatter [tilespmem:s19], [sflag:$0x1], $0x80, v4, vm0, $0xb8;
	[tilespmem:$0x8080] =	vst v63  }
0x43: {  	_ = 	snop  }
0x44: {  	[hbm4b:s6+s2] =	stream.indirect_vreg.scatter [tilespmem:s20], [sflag:$0x1], $0x80, v4, vm0, $0xb8;
	[tilespmem:$0x8080] =	vst v63  }
0x45: {  	_ = 	snop  }
0x46: {  	[hbm4b:s3+s2] =	stream.indirect_vreg.scatter [tilespmem:s21], [sflag:$0x1], $0x80, v3, vm0, $0xb8;
	[tilespmem:$0x8080] =	vst v63  }
0x47: {  	_ = 	snop  }
0x48: {  	[hbm4b:s6+s2] =	stream.indirect_vreg.scatter [tilespmem:s22], [sflag:$0x1], $0x80, v3, vm0, $0xb8;
	[tilespmem:$0x8080] =	vst v63  }
0x49: {  	v3 =	vld [tilespmem:$0x30];
	_ =	sdelay $0x4  }
0x4a: {  	v59 =	vshll.u32 v3, $0x2  }
0x4b: {  	v3 =	vand.u32 $0x7, v3;
	v4 =	vand.u32 $0xFFFFFFE0, v59  }
0x4c: {  	v3 =	vor.u32 v3, v4  }
0x4d: {  	v4 =	vperm.xlane v3, v0;
	_ =	sdelay $0x1  }
0x4e: {  	v4 =	vadd.s32 v1, v4;
	_ =	sdelay $0x1  }
0x4f: {  	v3 =	vperm.xlane v3, v2;
	_ =	sdelay $0x1  }
0x50: {  	v3 =	vadd.s32 v1, v3  }
0x51: {  	[hbm4b:s3+s2] =	stream.indirect_vreg.scatter [tilespmem:s23], [sflag:$0x1], $0x80, v4, vm0, $0xb8;
	[tilespmem:$0x8080] =	vst v63  }
0x52: {  	_ = 	snop  }
0x53: {  	[hbm4b:s6+s2] =	stream.indirect_vreg.scatter [tilespmem:s24], [sflag:$0x1], $0x80, v4, vm0, $0xb8;
	[tilespmem:$0x8080] =	vst v63  }
0x54: {  	_ = 	snop  }
0x55: {  	[hbm4b:s3+s2] =	stream.indirect_vreg.scatter [tilespmem:s25], [sflag:$0x1], $0x80, v3, vm0, $0xb8;
	[tilespmem:$0x8080] =	vst v63  }
0x56: {  	_ = 	snop  }
0x57: {  	[hbm4b:s6+s2] =	stream.indirect_vreg.scatter [tilespmem:s26], [sflag:$0x1], $0x80, v3, vm0, $0xb8;
	[tilespmem:$0x8080] =	vst v63  }
0x58: {  	_ =	swait.ge [sflag:s28], $0x8000  }
0x59: {  	[sflag:s28] =	ssyncset.done $0x0  }
0x5a: {  	[sflag:s28] =	ssyncadd.s32 $0xFFFF8000  }
0x5b: {  	[tilespmem:s10], [sflag:$0x2] =	stream.linear.gather [hbm4b:s7+s2], $0x8000, $0x38;
	[tilespmem:$0x8080] =	vst v63  }
0x5c: {  	_ =	swait.ge [sflag:s11], $0x8000  }
0x5d: {  	[sflag:s11] =	ssyncset.done $0x0  }
0x5e: {  	[sflag:s11] =	ssyncadd.s32 $0xFFFF8000  }
0x5f: {  	[tilespmem:s2], [sflag:$0x2] =	stream.linear.gather [hbm4b:s8+s2], $0x40, $0x38;
	[tilespmem:$0x8080] =	vst v63  }
0x60: {  	_ =	swait.ge [sflag:s11], $0x40  }
0x61: {  	[sflag:s11] =	ssyncset.done $0x0  }
0x62: {  	[sflag:s11] =	ssyncadd.s32 $0xFFFFFFC0  }
0x63: {  	v3 =	vld [tilespmem:$0x0];
	_ =	sdelay $0x4  }
0x64: {  	v60 =	vshll.u32 v3, $0x2  }
0x65: {  	v3 =	vand.u32 $0x7, v3;
	v4 =	vand.u32 $0xFFFFFFE0, v60  }
0x66: {  	v3 =	vor.u32 v3, v4  }
0x67: {  	v4 =	vperm.xlane v3, v0;
	_ =	sdelay $0x1  }
0x68: {  	v4 =	vadd.s32 v1, v4;
	_ =	sdelay $0x1  }
0x69: {  	v3 =	vperm.xlane v3, v2;
	_ =	sdelay $0x1  }
0x6a: {  	v3 =	vadd.s32 v1, v3  }
0x6b: {  	[hbm4b:s3+s2] =	stream.indirect_vreg.scatter [tilespmem:s10], [sflag:$0x1], $0x80, v4, vm0, $0xb8;
	[tilespmem:$0x8080] =	vst v63  }
0x6c: {  	_ = 	snop  }
0x6d: {  	[hbm4b:s6+s2] =	stream.indirect_vreg.scatter [tilespmem:s12], [sflag:$0x1], $0x80, v4, vm0, $0xb8;
	[tilespmem:$0x8080] =	vst v63  }
0x6e: {  	_ = 	snop  }
0x6f: {  	[hbm4b:s3+s2] =	stream.indirect_vreg.scatter [tilespmem:s13], [sflag:$0x1], $0x80, v3, vm0, $0xb8;
	[tilespmem:$0x8080] =	vst v63  }
0x70: {  	_ = 	snop  }
0x71: {  	[hbm4b:s6+s2] =	stream.indirect_vreg.scatter [tilespmem:s14], [sflag:$0x1], $0x80, v3, vm0, $0xb8;
	[tilespmem:$0x8080] =	vst v63  }
0x72: {  	v3 =	vld [tilespmem:$0x10];
	_ =	sdelay $0x4  }
0x73: {  	v61 =	vshll.u32 v3, $0x2  }
0x74: {  	v3 =	vand.u32 $0x7, v3;
	v4 =	vand.u32 $0xFFFFFFE0, v61  }
0x75: {  	v3 =	vor.u32 v3, v4  }
0x76: {  	v4 =	vperm.xlane v3, v0;
	_ =	sdelay $0x1  }
0x77: {  	v4 =	vadd.s32 v1, v4;
	_ =	sdelay $0x1  }
0x78: {  	v3 =	vperm.xlane v3, v2;
	_ =	sdelay $0x1  }
0x79: {  	v3 =	vadd.s32 v1, v3  }
0x7a: {  	[hbm4b:s3+s2] =	stream.indirect_vreg.scatter [tilespmem:s15], [sflag:$0x1], $0x80, v4, vm0, $0xb8;
	[tilespmem:$0x8080] =	vst v63  }
0x7b: {  	_ = 	snop  }
0x7c: {  	[hbm4b:s6+s2] =	stream.indirect_vreg.scatter [tilespmem:s16], [sflag:$0x1], $0x80, v4, vm0, $0xb8;
	[tilespmem:$0x8080] =	vst v63  }
0x7d: {  	_ = 	snop  }
0x7e: {  	[hbm4b:s3+s2] =	stream.indirect_vreg.scatter [tilespmem:s17], [sflag:$0x1], $0x80, v3, vm0, $0xb8;
	[tilespmem:$0x8080] =	vst v63  }
0x7f: {  	_ = 	snop  }
0x80: {  	[hbm4b:s6+s2] =	stream.indirect_vreg.scatter [tilespmem:s18], [sflag:$0x1], $0x80, v3, vm0, $0xb8;
	[tilespmem:$0x8080] =	vst v63  }
0x81: {  	v3 =	vld [tilespmem:$0x20];
	_ =	sdelay $0x4  }
0x82: {  	v62 =	vshll.u32 v3, $0x2  }
0x83: {  	v3 =	vand.u32 $0x7, v3;
	v4 =	vand.u32 $0xFFFFFFE0, v62  }
0x84: {  	v3 =	vor.u32 v3, v4  }
0x85: {  	v4 =	vperm.xlane v3, v0;
	_ =	sdelay $0x1  }
0x86: {  	v4 =	vadd.s32 v1, v4;
	_ =	sdelay $0x1  }
0x87: {  	v3 =	vperm.xlane v3, v2;
	_ =	sdelay $0x1  }
0x88: {  	v3 =	vadd.s32 v1, v3  }
0x89: {  	[hbm4b:s3+s2] =	stream.indirect_vreg.scatter [tilespmem:s19], [sflag:$0x1], $0x80, v4, vm0, $0xb8;
	[tilespmem:$0x8080] =	vst v63  }
0x8a: {  	_ = 	snop  }
0x8b: {  	[hbm4b:s6+s2] =	stream.indirect_vreg.scatter [tilespmem:s20], [sflag:$0x1], $0x80, v4, vm0, $0xb8;
	[tilespmem:$0x8080] =	vst v63  }
0x8c: {  	_ = 	snop  }
0x8d: {  	[hbm4b:s3+s2] =	stream.indirect_vreg.scatter [tilespmem:s21], [sflag:$0x1], $0x80, v3, vm0, $0xb8;
	[tilespmem:$0x8080] =	vst v63  }
0x8e: {  	_ = 	snop  }
0x8f: {  	[hbm4b:s6+s2] =	stream.indirect_vreg.scatter [tilespmem:s22], [sflag:$0x1], $0x80, v3, vm0, $0xb8;
	[tilespmem:$0x8080] =	vst v63  }
0x90: {  	v3 =	vld [tilespmem:$0x30];
	_ =	sdelay $0x4  }
0x91: {  	v63 =	vshll.u32 v3, $0x2  }
0x92: {  	v3 =	vand.u32 $0x7, v3;
	v4 =	vand.u32 $0xFFFFFFE0, v63  }
0x93: {  	v3 =	vor.u32 v3, v4  }
0x94: {  	v4 =	vperm.xlane v3, v0;
	_ =	sdelay $0x1  }
0x95: {  	v4 =	vadd.s32 v1, v4;
	_ =	sdelay $0x1  }
0x96: {  	v3 =	vperm.xlane v3, v2;
	_ =	sdelay $0x1  }
0x97: {  	v3 =	vadd.s32 v1, v3  }
0x98: {  	[hbm4b:s3+s2] =	stream.indirect_vreg.scatter [tilespmem:s23], [sflag:$0x1], $0x80, v4, vm0, $0xb8;
	[tilespmem:$0x8080] =	vst v63  }
0x99: {  	_ = 	snop  }
0x9a: {  	[hbm4b:s6+s2] =	stream.indirect_vreg.scatter [tilespmem:s24], [sflag:$0x1], $0x80, v4, vm0, $0xb8;
	[tilespmem:$0x8080] =	vst v63  }
0x9b: {  	p0 =	sne.s32 s9, $0x1  }
0x9c: {  	[hbm4b:s3+s2] =	stream.indirect_vreg.scatter [tilespmem:s25], [sflag:$0x1], $0x80, v3, vm0, $0xb8;
	[tilespmem:$0x8080] =	vst v63  }
.Ltmp0:
0x9d: {  	_ = 	snop;
	(pc) =	sbr.rel @p0 .LBB2_1-.Ltmp0, $4  }
0x9e: {  	[hbm4b:s6+s2] =	stream.indirect_vreg.scatter [tilespmem:s26], [sflag:$0x1], $0x80, v3, vm0, $0xb8;
	[tilespmem:$0x8080] =	vst v63  }
0x9f: {  	_ =	swait.ge [sflag:s28], $0x8000  }
0xa0: {  	[sflag:s28] =	ssyncset.done $0x0  }
0xa1: {  	s9 =	sadd.s32 $0xFFFFFFFF, s9;
	[sflag:s28] =	ssyncadd.s32 $0xFFFF8000  }
0xa2: {  	_ =	sfence.sel $0x180000  }
0xa3: {  	[bflag:$0x0] =	sbarrier.arrive $0xFFFF  }
0xa4: {  	p0 =	sne.s32 s1, $0x0;
	_ =	strace $0x90000047  }
0xa5: {  	s0 =	sadd.s32 @!p0 $0x100000, s0;
	[bflag:$0x2] =	sbarrier.arrive $0xFFFF  }
0xa6: {  	[sflag:s0] =	ssyncadd.tile.s32 @!p0 $0x1;
	_ =	shalt  }
.Lfunc_end2:
_tile_overlayer_lowered:
.L_overlay_start_2:
0xa7: {  	(tag) =	ssettag $0x2  }
0xa8: {  	s0 =	rddreg [dreg:$0x0];
	s2 =	stileid.u32  }
0xa9: {  	s1 =	rddreg [dreg:$0x1];
	p0 =	sne.s32 s2, $0x0  }
0xaa: {  	s3 =	rddreg [dreg:$0x2];
	[bflag:$0x3] =	sbarrier.arrive $0xFFFF;
	s2 =	simm.s32 @!p0 $0x1C02  }
0xab: {  	[timem:s3], [sflag:s2] =	dma.local @!p0 [hbm:s0], s1  }
0xac: {  	s0 =	simm.s32 @!p0 $0x2  }
0xad: {  	_ =	swait.ge @!p0 [sflag:s0], s1  }
0xae: {  	s1 =	ssub.s32 @!p0 $0x0, s1;
	[sflag:s0] =	ssyncset.done @!p0 $0x0  }
0xaf: {  	[sflag:s0] =	ssyncadd.s32 @!p0 s1  }
0xb0: {  	[bflag:$0x3] =	sbarrier.arrive $0xFFFF  }
0xb1: {  	_ =	shalt  }

</sc_bundles>
